<compile_context>
chip_gen: v7x
topology: tpu7x:2x2x1
jax: 0.10.2.dev20260603
libtpu: 0.0.44.dev20260713+nightly
codegen_flags: <defaults>
</compile_context>

<pallas_src>
import functools

import jax
import jax.numpy as jnp
from jax import lax
from jax.experimental import pallas as pl
from jax.experimental.pallas import tpu as pltpu
from jax.experimental.pallas import tpu_sc as plsc

HIDDEN = 128
SEG = 10000
NC, NS = 2, 16
NW = NC * NS
CHUNK = 128
SEGP = 10240
ZCH = SEGP // (NS * CHUNK)
ROWS_PER_TILE = SEGP // NS



def _ln(x, g, b, eps=1e-5):
    mu = jnp.mean(x, axis=-1, keepdims=True)
    xc = x - mu
    var = jnp.mean(xc * xc, axis=-1, keepdims=True)
    return xc * lax.rsqrt(var + eps) * g + b


_DN = (((1,), (1,)), ((), ()))


def _make_mlp_body(n, E, r_blk):
    eblk = r_blk * CHUNK

    def body(h_ref, a_ref, ce_ref, le_ref, off_ref, w1_ref, w1b_ref, b1_ref,
             w2_ref, g1_ref, bb1_ref, w3_ref, g2_ref, bb2_ref,
             x_ref, m_ref, oi_ref, ii_ref):
        h = h_ref[...]
        t = lax.dot_general(h, w1_ref[...], _DN,
                            preferred_element_type=jnp.float32)
        t = t + a_ref[...] * w1b_ref[...] + b1_ref[...]
        t = jnp.maximum(t, 0.0)
        x = lax.dot_general(t, w2_ref[...], _DN,
                            preferred_element_type=jnp.float32)
        x = _ln(x, g1_ref[...], bb1_ref[...])
        x_ref[...] = x
        m = lax.dot_general(x, w3_ref[...], _DN,
                            preferred_element_type=jnp.float32)
        m = _ln(m, g2_ref[...], bb2_ref[...])
        m_ref[...] = m.reshape(m_ref.shape)

        ce0 = ce_ref[0, :].reshape(r_blk, CHUNK)
        ce1 = ce_ref[1, :].reshape(r_blk, CHUNK)
        le = le_ref[...].reshape(r_blk, CHUNK)
        off = off_ref[...]
        eid = (pl.program_id(0) * eblk
               + lax.broadcasted_iota(jnp.int32, (r_blk, CHUNK), 0) * CHUNK
               + lax.broadcasted_iota(jnp.int32, (r_blk, CHUNK), 1))
        pad = eid >= E
        oi_ref[...] = jnp.where(pad, eid % (2 * n), ce1 * 2 + le + off[0, 0])
        ii_ref[...] = jnp.where(pad, SEG + eid % (SEGP - SEG), ce0 + off[0, 1])

    return body


def _mlp(h_val, assign, cst_edges, LE, offs, n_chunks,
         W1, b1, W2, ln1_g, ln1_b, W3, ln2_g, ln2_b):
    n = h_val.shape[0]
    E = cst_edges.shape[1]
    blk = 1000
    grid = n // blk
    r_blk = -(-(-(-n_chunks // grid)) // 8) * 8
    rows = r_blk * grid
    eblk = r_blk * CHUNK
    full = lambda r, c: pl.BlockSpec((r, c), lambda i: (0, 0))
    return pl.pallas_call(
        _make_mlp_body(n, E, r_blk),
        grid=(grid,),
        in_specs=[
            pl.BlockSpec((blk, HIDDEN), lambda i: (i, 0)),
            pl.BlockSpec((blk, 1), lambda i: (i, 0)),
            pl.BlockSpec((2, eblk), lambda i: (0, i)),
            pl.BlockSpec((eblk,), lambda i: (i,)),
            full(1, 2),
            full(HIDDEN, HIDDEN),
            full(1, HIDDEN),
            full(1, HIDDEN),
            full(HIDDEN, HIDDEN),
            full(1, HIDDEN),
            full(1, HIDDEN),
            full(2 * HIDDEN, HIDDEN),
            full(1, 2 * HIDDEN),
            full(1, 2 * HIDDEN),
        ],
        out_specs=[
            pl.BlockSpec((blk, HIDDEN), lambda i: (i, 0)),
            pl.BlockSpec((2 * blk, HIDDEN), lambda i: (i, 0)),
            pl.BlockSpec((r_blk, CHUNK), lambda i: (i, 0)),
            pl.BlockSpec((r_blk, CHUNK), lambda i: (i, 0)),
        ],
        out_shape=[
            jax.ShapeDtypeStruct((n, HIDDEN), jnp.float32),
            jax.ShapeDtypeStruct((2 * n, HIDDEN), jnp.float32),
            jax.ShapeDtypeStruct((rows, CHUNK), jnp.int32),
            jax.ShapeDtypeStruct((rows, CHUNK), jnp.int32),
        ],
    )(
        h_val,
        assign.reshape(n, 1),
        cst_edges,
        LE,
        offs,
        W1[:, :HIDDEN],
        W1[:, HIDDEN].reshape(1, HIDDEN),
        b1.reshape(1, HIDDEN),
        W2,
        ln1_g.reshape(1, HIDDEN),
        ln1_b.reshape(1, HIDDEN),
        W3,
        ln2_g.reshape(1, 2 * HIDDEN),
        ln2_b.reshape(1, 2 * HIDDEN),
    )



def _make_edge_kernel(cpt0, cpt1, stage, passes):
    mesh = plsc.VectorSubcoreMesh(
        core_axis_name="c", subcore_axis_name="s", num_cores=NC,
        num_subcores=NS)

    @functools.partial(
        pl.kernel,
        mesh=mesh,
        out_type=jax.ShapeDtypeStruct((NC, SEGP, HIDDEN), jnp.float32),
        scratch_types=[
            pltpu.VMEM((stage, CHUNK), jnp.int32),
            pltpu.VMEM((stage, CHUNK), jnp.int32),
            pltpu.VMEM((2 * CHUNK, HIDDEN), jnp.float32),
            pltpu.VMEM_SHARED((SEGP, HIDDEN), jnp.float32),
            pltpu.SemaphoreType.DMA,
        ],
    )
    def edge_kernel(m_hbm, oi_hbm, ii_hbm, out_hbm, oi_v, ii_v, buf, acc_sh,
                    sg):
        cid = lax.axis_index("c")
        sid = lax.axis_index("s")
        my_cpt = jnp.where(cid == 0, cpt0, cpt1)
        base0 = jnp.where(cid == 0, sid * cpt0, NS * cpt0 + sid * cpt1)

        zeros16 = jnp.zeros((16,), jnp.float32)

        def zrow(i, _):
            for k in range(HIDDEN // 16):
                buf[i, pl.ds(k * 16, 16)] = zeros16
            return 0

        lax.fori_loop(0, 2 * CHUNK, zrow, 0)
        for z in range(ZCH):
            pltpu.sync_copy(
                buf.at[pl.ds(0, CHUNK)],
                acc_sh.at[pl.ds((sid * ZCH + z) * CHUNK, CHUNK)])
        plsc.subcore_barrier()

        def body(j, _):
            @pl.when(j < stage)
            def _():
                pltpu.async_copy(
                    m_hbm.at[oi_v.at[j]],
                    buf.at[pl.ds((j % 2) * CHUNK, CHUNK)], sg)

            @pl.when(j > 0)
            def _():
                jp = j - 1
                slot = jp % 2
                pltpu.make_async_copy(
                    m_hbm.at[oi_v.at[jp]],
                    buf.at[pl.ds(slot * CHUNK, CHUNK)], sg).wait()
                pltpu.sync_copy(
                    buf.at[pl.ds(slot * CHUNK, CHUNK)],
                    acc_sh.at[ii_v.at[jp]], add=True)

            return 0

        for h in range(passes):
            @pl.when(h * stage < my_cpt)
            def _():
                cbase = pl.multiple_of(base0 + h * stage, 8)
                pltpu.sync_copy(oi_hbm.at[pl.ds(cbase, stage)], oi_v)
                pltpu.sync_copy(ii_hbm.at[pl.ds(cbase, stage)], ii_v)
                lax.fori_loop(0, stage + 1, body, 0)
        plsc.subcore_barrier()

        pltpu.sync_copy(
            acc_sh.at[pl.ds(sid * ROWS_PER_TILE, ROWS_PER_TILE)],
            out_hbm.at[cid, pl.ds(sid * ROWS_PER_TILE, ROWS_PER_TILE)])

    return edge_kernel



def _comb_body(p_ref, o_ref):
    o_ref[...] = p_ref[0] + p_ref[1]


def _combine(part):
    blk = 2000
    return pl.pallas_call(
        _comb_body,
        grid=(SEG // blk,),
        in_specs=[pl.BlockSpec((NC, blk, HIDDEN), lambda i: (0, i, 0))],
        out_specs=pl.BlockSpec((blk, HIDDEN), lambda i: (i, 0)),
        out_shape=jax.ShapeDtypeStruct((SEG, HIDDEN), jnp.float32),
    )(part)



def kernel(h_val, assign, cst_edges, LE, num_val, num_cst,
           W1, b1, W2, ln1_g, ln1_b, W3, ln2_g, ln2_b):
    n = h_val.shape[0]
    E = cst_edges.shape[1]

    ch = -(-E // CHUNK)
    cpt = -(-(-(-ch // NW)) // 16) * 16
    cpt0 = cpt1 = cpt
    stage = cpt // 2
    passes = cpt0 // stage
    n_chunks = NS * (cpt0 + cpt1) + stage
    offs = jnp.stack([num_val - n, num_cst - SEG]).astype(
        jnp.int32).reshape(1, 2)
    x_val, m2, oi, ii = _mlp(
        h_val, assign, cst_edges.astype(jnp.int32), LE.astype(jnp.int32),
        offs, n_chunks, W1, b1, W2, ln1_g, ln1_b, W3, ln2_g, ln2_b)

    part = _make_edge_kernel(cpt0, cpt1, stage, passes)(m2, oi, ii)
    r_cst = _combine(part)
    return (r_cst, x_val)

# --- scband reference (transcript-rebuilt; emitter-appended) ---
"""Pipeline reference for scband-val2-cst-layer-9191230013855 (READ-ONLY COPY).

The authoritative reference and input builder live on the scoring server;
editing this copy changes nothing except your own understanding.
"""

import jax, jax.numpy as jnp
import numpy as np

HIDDEN = 128
NUM_VAL = 10000
NUM_CST = 10000
E = 320000


def layer_norm(x, g, b, eps=1e-5):
    mu = jnp.mean(x, axis=-1, keepdims=True)
    var = jnp.mean((x - mu) ** 2, axis=-1, keepdims=True)
    return (x - mu) / jnp.sqrt(var + eps) * g + b


def setup_inputs(seed: int = 0) -> dict:
    key = jax.random.key(seed)
    ks = jax.random.split(key, 12)
    h_val = jax.random.normal(ks[0], (NUM_VAL, HIDDEN), dtype=jnp.float32)
    assign = jax.random.uniform(ks[1], (NUM_VAL,), dtype=jnp.float32)
    cst_edges = jax.random.randint(ks[2], (2, E), 0, NUM_VAL, dtype=jnp.int64 if jax.config.jax_enable_x64 else jnp.int32)
    LE = jax.random.randint(ks[3], (E,), 0, 2, dtype=jnp.int64 if jax.config.jax_enable_x64 else jnp.int32)
    # val_enc: Linear(H+1 -> H, bias) -> ReLU -> Linear(H -> H, no bias) -> LayerNorm(H)
    W1 = jax.random.normal(ks[4], (HIDDEN, HIDDEN + 1), dtype=jnp.float32) * 0.05
    b1 = jnp.zeros((HIDDEN,), dtype=jnp.float32)
    W2 = jax.random.normal(ks[5], (HIDDEN, HIDDEN), dtype=jnp.float32) * 0.05
    ln1_g = jnp.ones((HIDDEN,), dtype=jnp.float32)
    ln1_b = jnp.zeros((HIDDEN,), dtype=jnp.float32)
    # val_send: Linear(H -> 2H, no bias) -> LayerNorm(2H)
    W3 = jax.random.normal(ks[6], (2 * HIDDEN, HIDDEN), dtype=jnp.float32) * 0.05
    ln2_g = jnp.ones((2 * HIDDEN,), dtype=jnp.float32)
    ln2_b = jnp.zeros((2 * HIDDEN,), dtype=jnp.float32)
    return {
        "h_val": h_val,
        "assign": assign,
        "cst_edges": cst_edges,
        "LE": LE,
        "num_val": NUM_VAL,
        "num_cst": NUM_CST,
        "W1": W1, "b1": b1, "W2": W2, "ln1_g": ln1_g, "ln1_b": ln1_b,
        "W3": W3, "ln2_g": ln2_g, "ln2_b": ln2_b,
    }


def reference(h_val, assign, cst_edges, LE, num_val, num_cst,
              W1, b1, W2, ln1_g, ln1_b, W3, ln2_g, ln2_b):
    # x_val = cat([h_val, assign.view(-1,1)], dim=1)
    x_val = jnp.concatenate([h_val, assign[:, None].astype(h_val.dtype)], axis=1)
    # val_enc
    x_val = jax.nn.relu(x_val @ W1.T + b1)
    x_val = x_val @ W2.T
    x_val = layer_norm(x_val, ln1_g, ln1_b)
    # val_send
    m_val = x_val @ W3.T
    m_val = layer_norm(m_val, ln2_g, ln2_b)
    n_val = h_val.shape[0]
    m_val = m_val.reshape(2 * n_val, HIDDEN)
    # message passing: gather by out_idx, scatter-sum by in_idx
    out_idx = 2 * cst_edges[1] + LE + (num_val - n_val)
    in_idx = cst_edges[0] + (num_cst - NUM_CST)
    msg = jnp.take(m_val, out_idx, axis=0)
    r_cst = jax.ops.segment_sum(msg, in_idx, num_segments=NUM_CST)
    return (r_cst, x_val)

if __name__ == "__main__":
    import jax
    _d = setup_inputs()
    print(jax.jit(kernel)(*tuple(_d.values())))

</pallas_src>

<mosaic_0001>
#map = affine_map<(d0, d1) -> (0, 0)>
#map1 = affine_map<(d0, d1) -> (0, 0, 0)>
module attributes {stable_mosaic.version = 14 : i64} {
  func.func @edge_kernel(%arg0: i32, %arg1: i32, %arg2: memref<20000x128xf32, #tpu.memory_space<hbm>>, %arg3: memref<2640x128xi32, #tpu.memory_space<hbm>>, %arg4: memref<2640x128xi32, #tpu.memory_space<hbm>>, %arg5: memref<2x10240x128xf32, #tpu.memory_space<hbm>>, %arg6: memref<40x128xi32, #tpu.memory_space<vmem>>, %arg7: memref<40x128xi32, #tpu.memory_space<vmem>>, %arg8: memref<256x128xf32, #tpu.memory_space<vmem>>, %arg9: memref<10240x128xf32, #tpu.memory_space<vmem_shared>>, %arg10: memref<!tpu.dma_semaphore, #tpu.memory_space<semaphore_mem>>) attributes {dimension_semantics = [#tpu.dimension_semantics<core_parallel>, #tpu.dimension_semantics<subcore_parallel>], iteration_bounds = array<i64: 2, 16>, scalar_prefetch = 0 : i64, scratch_operands = 5 : i64, tpu.core_type = #tpu.core_type<sc_vector_subcore>, window_params = [{transform_indices = #map}, {transform_indices = #map}, {transform_indices = #map}, {transform_indices = #map1}]} {
    %eq3A = arith.constant 0 : i32
    %eq3A_0 = arith.cmpi eq, %arg0, %eq3A : i32
    %jit3A = arith.constant 80 : i32
    %jit3A_1 = arith.constant 80 : i32
    %select_n3A = arith.select %eq3A_0, %jit3A, %jit3A_1 : i32
    %eq3A_2 = arith.constant 0 : i32
    %eq3A_3 = arith.cmpi eq, %arg0, %eq3A_2 : i32
    %mul3A = arith.constant 80 : i32
    %mul3A_4 = arith.muli %arg1, %mul3A : i32
    %mul3A_5 = arith.constant 80 : i32
    %mul3A_6 = arith.muli %arg1, %mul3A_5 : i32
    %add3A = arith.constant 1280 : i32
    %add3A_7 = arith.addi %add3A, %mul3A_6 : i32
    %select_n3A_8 = arith.select %eq3A_3, %mul3A_4, %add3A_7 : i32
    %broadcast_in_dim3A = arith.constant 0.000000e+00 : f32
    %broadcast_in_dim3A_9 = vector.broadcast %broadcast_in_dim3A : f32 to vector<16xf32>
    %scan3A = arith.constant 0 : i32
    %scan3A_10 = arith.constant 0 : i32
    %scan3A_11 = arith.constant 256 : i32
    %scan3A_12 = arith.addi %scan3A_10, %scan3A_11 : i32
    %scan3A_13 = arith.constant 1 : i32
    %scan3A_14 = scf.for %scan3A_58 = %scan3A_10 to %scan3A_12 step %scan3A_13 iter_args(%scan3A_59 = %scan3A) -> (i32)  : i32 {
      %swap3A = arith.index_cast %scan3A_58 : i32 to index
      %swap3A_60 = arith.constant 0 : index
      %swap3A_61 = tpu.vector_load %arg8[%swap3A, %swap3A_60] {strides = array<i32>} : memref<256x128xf32, #tpu.memory_space<vmem>>, vector<1x16xf32>,
      %swap3A_62 = vector.shape_cast %swap3A_61 : vector<1x16xf32> to vector<16xf32>
      %swap3A_63 = vector.shape_cast %broadcast_in_dim3A_9 : vector<16xf32> to vector<1x16xf32>
      tpu.vector_store %arg8[%swap3A, %swap3A_60], %swap3A_63 {strides = array<i32>} : memref<256x128xf32, #tpu.memory_space<vmem>>, vector<1x16xf32>,
      %swap3A_64 = arith.index_cast %scan3A_58 : i32 to index
      %swap3A_65 = arith.constant 16 : index
      %swap3A_66 = tpu.vector_load %arg8[%swap3A_64, %swap3A_65] {strides = array<i32>} : memref<256x128xf32, #tpu.memory_space<vmem>>, vector<1x16xf32>,
      %swap3A_67 = vector.shape_cast %swap3A_66 : vector<1x16xf32> to vector<16xf32>
      %swap3A_68 = vector.shape_cast %broadcast_in_dim3A_9 : vector<16xf32> to vector<1x16xf32>
      tpu.vector_store %arg8[%swap3A_64, %swap3A_65], %swap3A_68 {strides = array<i32>} : memref<256x128xf32, #tpu.memory_space<vmem>>, vector<1x16xf32>,
      %swap3A_69 = arith.index_cast %scan3A_58 : i32 to index
      %swap3A_70 = arith.constant 32 : index
      %swap3A_71 = tpu.vector_load %arg8[%swap3A_69, %swap3A_70] {strides = array<i32>} : memref<256x128xf32, #tpu.memory_space<vmem>>, vector<1x16xf32>,
      %swap3A_72 = vector.shape_cast %swap3A_71 : vector<1x16xf32> to vector<16xf32>
      %swap3A_73 = vector.shape_cast %broadcast_in_dim3A_9 : vector<16xf32> to vector<1x16xf32>
      tpu.vector_store %arg8[%swap3A_69, %swap3A_70], %swap3A_73 {strides = array<i32>} : memref<256x128xf32, #tpu.memory_space<vmem>>, vector<1x16xf32>,
      %swap3A_74 = arith.index_cast %scan3A_58 : i32 to index
      %swap3A_75 = arith.constant 48 : index
      %swap3A_76 = tpu.vector_load %arg8[%swap3A_74, %swap3A_75] {strides = array<i32>} : memref<256x128xf32, #tpu.memory_space<vmem>>, vector<1x16xf32>,
      %swap3A_77 = vector.shape_cast %swap3A_76 : vector<1x16xf32> to vector<16xf32>
      %swap3A_78 = vector.shape_cast %broadcast_in_dim3A_9 : vector<16xf32> to vector<1x16xf32>
      tpu.vector_store %arg8[%swap3A_74, %swap3A_75], %swap3A_78 {strides = array<i32>} : memref<256x128xf32, #tpu.memory_space<vmem>>, vector<1x16xf32>,
      %swap3A_79 = arith.index_cast %scan3A_58 : i32 to index
      %swap3A_80 = arith.constant 64 : index
      %swap3A_81 = tpu.vector_load %arg8[%swap3A_79, %swap3A_80] {strides = array<i32>} : memref<256x128xf32, #tpu.memory_space<vmem>>, vector<1x16xf32>,
      %swap3A_82 = vector.shape_cast %swap3A_81 : vector<1x16xf32> to vector<16xf32>
      %swap3A_83 = vector.shape_cast %broadcast_in_dim3A_9 : vector<16xf32> to vector<1x16xf32>
      tpu.vector_store %arg8[%swap3A_79, %swap3A_80], %swap3A_83 {strides = array<i32>} : memref<256x128xf32, #tpu.memory_space<vmem>>, vector<1x16xf32>,
      %swap3A_84 = arith.index_cast %scan3A_58 : i32 to index
      %swap3A_85 = arith.constant 80 : index
      %swap3A_86 = tpu.vector_load %arg8[%swap3A_84, %swap3A_85] {strides = array<i32>} : memref<256x128xf32, #tpu.memory_space<vmem>>, vector<1x16xf32>,
      %swap3A_87 = vector.shape_cast %swap3A_86 : vector<1x16xf32> to vector<16xf32>
      %swap3A_88 = vector.shape_cast %broadcast_in_dim3A_9 : vector<16xf32> to vector<1x16xf32>
      tpu.vector_store %arg8[%swap3A_84, %swap3A_85], %swap3A_88 {strides = array<i32>} : memref<256x128xf32, #tpu.memory_space<vmem>>, vector<1x16xf32>,
      %swap3A_89 = arith.index_cast %scan3A_58 : i32 to index
      %swap3A_90 = arith.constant 96 : index
      %swap3A_91 = tpu.vector_load %arg8[%swap3A_89, %swap3A_90] {strides = array<i32>} : memref<256x128xf32, #tpu.memory_space<vmem>>, vector<1x16xf32>,
      %swap3A_92 = vector.shape_cast %swap3A_91 : vector<1x16xf32> to vector<16xf32>
      %swap3A_93 = vector.shape_cast %broadcast_in_dim3A_9 : vector<16xf32> to vector<1x16xf32>
      tpu.vector_store %arg8[%swap3A_89, %swap3A_90], %swap3A_93 {strides = array<i32>} : memref<256x128xf32, #tpu.memory_space<vmem>>, vector<1x16xf32>,
      %swap3A_94 = arith.index_cast %scan3A_58 : i32 to index
      %swap3A_95 = arith.constant 112 : index
      %swap3A_96 = tpu.vector_load %arg8[%swap3A_94, %swap3A_95] {strides = array<i32>} : memref<256x128xf32, #tpu.memory_space<vmem>>, vector<1x16xf32>,
      %swap3A_97 = vector.shape_cast %swap3A_96 : vector<1x16xf32> to vector<16xf32>
      %swap3A_98 = vector.shape_cast %broadcast_in_dim3A_9 : vector<16xf32> to vector<1x16xf32>
      tpu.vector_store %arg8[%swap3A_94, %swap3A_95], %swap3A_98 {strides = array<i32>} : memref<256x128xf32, #tpu.memory_space<vmem>>, vector<1x16xf32>,
      %scan3A_99 = arith.constant 0 : i32
      scf.yield %scan3A_99 : i32
    }
    %scan3A_15 = arith.constant 256 : i32
    %mul3A_16 = arith.constant 5 : i32
    %mul3A_17 = arith.muli %arg1, %mul3A_16 : i32
    %add3A_18 = arith.constant 0 : i32
    %add3A_19 = arith.addi %mul3A_17, %add3A_18 : i32
    %mul3A_20 = arith.constant 128 : i32
    %mul3A_21 = arith.muli %add3A_19, %mul3A_20 : i32
    "tpu.region"() ({
      %run_scoped3A = tpu.sem_alloc : memref<!tpu.dma_semaphore, #tpu.memory_space<semaphore_mem>>
      %dma_start3A = arith.constant 0 : i32
      %dma_start3A_58 = arith.constant 0 : i32
      %dma_start3A_59 = tpu.memref_slice %arg8[%dma_start3A, %dma_start3A_58] : memref<256x128xf32, #tpu.memory_space<vmem>> -> memref<128x128xf32, #tpu.memory_space<vmem>>
      %dma_start3A_60 = arith.constant 0 : i32
      %dma_start3A_61 = tpu.memref_slice %arg9[%mul3A_21, %dma_start3A_60] : memref<10240x128xf32, #tpu.memory_space<vmem_shared>> -> memref<128x128xf32, #tpu.memory_space<vmem_shared>>
      %dma_start3A_62 = arith.constant 0 : i32
      %dma_start3A_63 = tpu.memref_slice %arg9[%mul3A_21, %dma_start3A_62] : memref<10240x128xf32, #tpu.memory_space<vmem_shared>> -> memref<128x128xf32, #tpu.memory_space<vmem_shared>>
      %dma_start3A_64 = arith.constant 0 : i32
      %dma_start3A_65 = arith.constant 0 : i32
      %dma_start3A_66 = tpu.memref_slice %arg8[%dma_start3A_64, %dma_start3A_65] : memref<256x128xf32, #tpu.memory_space<vmem>> -> memref<128x128xf32, #tpu.memory_space<vmem>>
      tpu.enqueue_dma source(%dma_start3A_66 : memref<128x128xf32, #tpu.memory_space<vmem>>) target(%dma_start3A_63 : memref<128x128xf32, #tpu.memory_space<vmem_shared>>) target_semaphore(%run_scoped3A : memref<!tpu.dma_semaphore, #tpu.memory_space<semaphore_mem>>)
      %dma_wait3A = arith.constant 0 : i32
      %dma_wait3A_67 = arith.constant 0 : i32
      %dma_wait3A_68 = tpu.memref_slice %arg8[%dma_wait3A, %dma_wait3A_67] : memref<256x128xf32, #tpu.memory_space<vmem>> -> memref<128x128xf32, #tpu.memory_space<vmem>>
      %dma_wait3A_69 = arith.constant 0 : i32
      %dma_wait3A_70 = tpu.memref_slice %arg9[%mul3A_21, %dma_wait3A_69] : memref<10240x128xf32, #tpu.memory_space<vmem_shared>> -> memref<128x128xf32, #tpu.memory_space<vmem_shared>>
      %dma_wait3A_71 = arith.constant 0 : i32
      %dma_wait3A_72 = tpu.memref_slice %arg9[%mul3A_21, %dma_wait3A_71] : memref<10240x128xf32, #tpu.memory_space<vmem_shared>> -> memref<128x128xf32, #tpu.memory_space<vmem_shared>>
      %dma_wait3A_73 = arith.constant 0 : i32
      %dma_wait3A_74 = arith.constant 0 : i32
      %dma_wait3A_75 = tpu.memref_slice %arg8[%dma_wait3A_73, %dma_wait3A_74] : memref<256x128xf32, #tpu.memory_space<vmem>> -> memref<128x128xf32, #tpu.memory_space<vmem>>
      tpu.wait_dma2 semaphore(%run_scoped3A : memref<!tpu.dma_semaphore, #tpu.memory_space<semaphore_mem>>) src(%dma_wait3A_75 : memref<128x128xf32, #tpu.memory_space<vmem>>) dst(%dma_wait3A_72 : memref<128x128xf32, #tpu.memory_space<vmem_shared>>)
      tpu.yield
    }) : () -> ()
    %mul3A_22 = arith.constant 5 : i32
    %mul3A_23 = arith.muli %arg1, %mul3A_22 : i32
    %add3A_24 = arith.constant 1 : i32
    %add3A_25 = arith.addi %mul3A_23, %add3A_24 : i32
    %mul3A_26 = arith.constant 128 : i32
    %mul3A_27 = arith.muli %add3A_25, %mul3A_26 : i32
    "tpu.region"() ({
      %run_scoped3A = tpu.sem_alloc : memref<!tpu.dma_semaphore, #tpu.memory_space<semaphore_mem>>
      %dma_start3A = arith.constant 0 : i32
      %dma_start3A_58 = arith.constant 0 : i32
      %dma_start3A_59 = tpu.memref_slice %arg8[%dma_start3A, %dma_start3A_58] : memref<256x128xf32, #tpu.memory_space<vmem>> -> memref<128x128xf32, #tpu.memory_space<vmem>>
      %dma_start3A_60 = arith.constant 0 : i32
      %dma_start3A_61 = tpu.memref_slice %arg9[%mul3A_27, %dma_start3A_60] : memref<10240x128xf32, #tpu.memory_space<vmem_shared>> -> memref<128x128xf32, #tpu.memory_space<vmem_shared>>
      %dma_start3A_62 = arith.constant 0 : i32
      %dma_start3A_63 = tpu.memref_slice %arg9[%mul3A_27, %dma_start3A_62] : memref<10240x128xf32, #tpu.memory_space<vmem_shared>> -> memref<128x128xf32, #tpu.memory_space<vmem_shared>>
      %dma_start3A_64 = arith.constant 0 : i32
      %dma_start3A_65 = arith.constant 0 : i32
      %dma_start3A_66 = tpu.memref_slice %arg8[%dma_start3A_64, %dma_start3A_65] : memref<256x128xf32, #tpu.memory_space<vmem>> -> memref<128x128xf32, #tpu.memory_space<vmem>>
      tpu.enqueue_dma source(%dma_start3A_66 : memref<128x128xf32, #tpu.memory_space<vmem>>) target(%dma_start3A_63 : memref<128x128xf32, #tpu.memory_space<vmem_shared>>) target_semaphore(%run_scoped3A : memref<!tpu.dma_semaphore, #tpu.memory_space<semaphore_mem>>)
      %dma_wait3A = arith.constant 0 : i32
      %dma_wait3A_67 = arith.constant 0 : i32
      %dma_wait3A_68 = tpu.memref_slice %arg8[%dma_wait3A, %dma_wait3A_67] : memref<256x128xf32, #tpu.memory_space<vmem>> -> memref<128x128xf32, #tpu.memory_space<vmem>>
      %dma_wait3A_69 = arith.constant 0 : i32
      %dma_wait3A_70 = tpu.memref_slice %arg9[%mul3A_27, %dma_wait3A_69] : memref<10240x128xf32, #tpu.memory_space<vmem_shared>> -> memref<128x128xf32, #tpu.memory_space<vmem_shared>>
      %dma_wait3A_71 = arith.constant 0 : i32
      %dma_wait3A_72 = tpu.memref_slice %arg9[%mul3A_27, %dma_wait3A_71] : memref<10240x128xf32, #tpu.memory_space<vmem_shared>> -> memref<128x128xf32, #tpu.memory_space<vmem_shared>>
      %dma_wait3A_73 = arith.constant 0 : i32
      %dma_wait3A_74 = arith.constant 0 : i32
      %dma_wait3A_75 = tpu.memref_slice %arg8[%dma_wait3A_73, %dma_wait3A_74] : memref<256x128xf32, #tpu.memory_space<vmem>> -> memref<128x128xf32, #tpu.memory_space<vmem>>
      tpu.wait_dma2 semaphore(%run_scoped3A : memref<!tpu.dma_semaphore, #tpu.memory_space<semaphore_mem>>) src(%dma_wait3A_75 : memref<128x128xf32, #tpu.memory_space<vmem>>) dst(%dma_wait3A_72 : memref<128x128xf32, #tpu.memory_space<vmem_shared>>)
      tpu.yield
    }) : () -> ()
    %mul3A_28 = arith.constant 5 : i32
    %mul3A_29 = arith.muli %arg1, %mul3A_28 : i32
    %add3A_30 = arith.constant 2 : i32
    %add3A_31 = arith.addi %mul3A_29, %add3A_30 : i32
    %mul3A_32 = arith.constant 128 : i32
    %mul3A_33 = arith.muli %add3A_31, %mul3A_32 : i32
    "tpu.region"() ({
      %run_scoped3A = tpu.sem_alloc : memref<!tpu.dma_semaphore, #tpu.memory_space<semaphore_mem>>
      %dma_start3A = arith.constant 0 : i32
      %dma_start3A_58 = arith.constant 0 : i32
      %dma_start3A_59 = tpu.memref_slice %arg8[%dma_start3A, %dma_start3A_58] : memref<256x128xf32, #tpu.memory_space<vmem>> -> memref<128x128xf32, #tpu.memory_space<vmem>>
      %dma_start3A_60 = arith.constant 0 : i32
      %dma_start3A_61 = tpu.memref_slice %arg9[%mul3A_33, %dma_start3A_60] : memref<10240x128xf32, #tpu.memory_space<vmem_shared>> -> memref<128x128xf32, #tpu.memory_space<vmem_shared>>
      %dma_start3A_62 = arith.constant 0 : i32
      %dma_start3A_63 = tpu.memref_slice %arg9[%mul3A_33, %dma_start3A_62] : memref<10240x128xf32, #tpu.memory_space<vmem_shared>> -> memref<128x128xf32, #tpu.memory_space<vmem_shared>>
      %dma_start3A_64 = arith.constant 0 : i32
      %dma_start3A_65 = arith.constant 0 : i32
      %dma_start3A_66 = tpu.memref_slice %arg8[%dma_start3A_64, %dma_start3A_65] : memref<256x128xf32, #tpu.memory_space<vmem>> -> memref<128x128xf32, #tpu.memory_space<vmem>>
      tpu.enqueue_dma source(%dma_start3A_66 : memref<128x128xf32, #tpu.memory_space<vmem>>) target(%dma_start3A_63 : memref<128x128xf32, #tpu.memory_space<vmem_shared>>) target_semaphore(%run_scoped3A : memref<!tpu.dma_semaphore, #tpu.memory_space<semaphore_mem>>)
      %dma_wait3A = arith.constant 0 : i32
      %dma_wait3A_67 = arith.constant 0 : i32
      %dma_wait3A_68 = tpu.memref_slice %arg8[%dma_wait3A, %dma_wait3A_67] : memref<256x128xf32, #tpu.memory_space<vmem>> -> memref<128x128xf32, #tpu.memory_space<vmem>>
      %dma_wait3A_69 = arith.constant 0 : i32
      %dma_wait3A_70 = tpu.memref_slice %arg9[%mul3A_33, %dma_wait3A_69] : memref<10240x128xf32, #tpu.memory_space<vmem_shared>> -> memref<128x128xf32, #tpu.memory_space<vmem_shared>>
      %dma_wait3A_71 = arith.constant 0 : i32
      %dma_wait3A_72 = tpu.memref_slice %arg9[%mul3A_33, %dma_wait3A_71] : memref<10240x128xf32, #tpu.memory_space<vmem_shared>> -> memref<128x128xf32, #tpu.memory_space<vmem_shared>>
      %dma_wait3A_73 = arith.constant 0 : i32
      %dma_wait3A_74 = arith.constant 0 : i32
      %dma_wait3A_75 = tpu.memref_slice %arg8[%dma_wait3A_73, %dma_wait3A_74] : memref<256x128xf32, #tpu.memory_space<vmem>> -> memref<128x128xf32, #tpu.memory_space<vmem>>
      tpu.wait_dma2 semaphore(%run_scoped3A : memref<!tpu.dma_semaphore, #tpu.memory_space<semaphore_mem>>) src(%dma_wait3A_75 : memref<128x128xf32, #tpu.memory_space<vmem>>) dst(%dma_wait3A_72 : memref<128x128xf32, #tpu.memory_space<vmem_shared>>)
      tpu.yield
    }) : () -> ()
    %mul3A_34 = arith.constant 5 : i32
    %mul3A_35 = arith.muli %arg1, %mul3A_34 : i32
    %add3A_36 = arith.constant 3 : i32
    %add3A_37 = arith.addi %mul3A_35, %add3A_36 : i32
    %mul3A_38 = arith.constant 128 : i32
    %mul3A_39 = arith.muli %add3A_37, %mul3A_38 : i32
    "tpu.region"() ({
      %run_scoped3A = tpu.sem_alloc : memref<!tpu.dma_semaphore, #tpu.memory_space<semaphore_mem>>
      %dma_start3A = arith.constant 0 : i32
      %dma_start3A_58 = arith.constant 0 : i32
      %dma_start3A_59 = tpu.memref_slice %arg8[%dma_start3A, %dma_start3A_58] : memref<256x128xf32, #tpu.memory_space<vmem>> -> memref<128x128xf32, #tpu.memory_space<vmem>>
      %dma_start3A_60 = arith.constant 0 : i32
      %dma_start3A_61 = tpu.memref_slice %arg9[%mul3A_39, %dma_start3A_60] : memref<10240x128xf32, #tpu.memory_space<vmem_shared>> -> memref<128x128xf32, #tpu.memory_space<vmem_shared>>
      %dma_start3A_62 = arith.constant 0 : i32
      %dma_start3A_63 = tpu.memref_slice %arg9[%mul3A_39, %dma_start3A_62] : memref<10240x128xf32, #tpu.memory_space<vmem_shared>> -> memref<128x128xf32, #tpu.memory_space<vmem_shared>>
      %dma_start3A_64 = arith.constant 0 : i32
      %dma_start3A_65 = arith.constant 0 : i32
      %dma_start3A_66 = tpu.memref_slice %arg8[%dma_start3A_64, %dma_start3A_65] : memref<256x128xf32, #tpu.memory_space<vmem>> -> memref<128x128xf32, #tpu.memory_space<vmem>>
      tpu.enqueue_dma source(%dma_start3A_66 : memref<128x128xf32, #tpu.memory_space<vmem>>) target(%dma_start3A_63 : memref<128x128xf32, #tpu.memory_space<vmem_shared>>) target_semaphore(%run_scoped3A : memref<!tpu.dma_semaphore, #tpu.memory_space<semaphore_mem>>)
      %dma_wait3A = arith.constant 0 : i32
      %dma_wait3A_67 = arith.constant 0 : i32
      %dma_wait3A_68 = tpu.memref_slice %arg8[%dma_wait3A, %dma_wait3A_67] : memref<256x128xf32, #tpu.memory_space<vmem>> -> memref<128x128xf32, #tpu.memory_space<vmem>>
      %dma_wait3A_69 = arith.constant 0 : i32
      %dma_wait3A_70 = tpu.memref_slice %arg9[%mul3A_39, %dma_wait3A_69] : memref<10240x128xf32, #tpu.memory_space<vmem_shared>> -> memref<128x128xf32, #tpu.memory_space<vmem_shared>>
      %dma_wait3A_71 = arith.constant 0 : i32
      %dma_wait3A_72 = tpu.memref_slice %arg9[%mul3A_39, %dma_wait3A_71] : memref<10240x128xf32, #tpu.memory_space<vmem_shared>> -> memref<128x128xf32, #tpu.memory_space<vmem_shared>>
      %dma_wait3A_73 = arith.constant 0 : i32
      %dma_wait3A_74 = arith.constant 0 : i32
      %dma_wait3A_75 = tpu.memref_slice %arg8[%dma_wait3A_73, %dma_wait3A_74] : memref<256x128xf32, #tpu.memory_space<vmem>> -> memref<128x128xf32, #tpu.memory_space<vmem>>
      tpu.wait_dma2 semaphore(%run_scoped3A : memref<!tpu.dma_semaphore, #tpu.memory_space<semaphore_mem>>) src(%dma_wait3A_75 : memref<128x128xf32, #tpu.memory_space<vmem>>) dst(%dma_wait3A_72 : memref<128x128xf32, #tpu.memory_space<vmem_shared>>)
      tpu.yield
    }) : () -> ()
    %mul3A_40 = arith.constant 5 : i32
    %mul3A_41 = arith.muli %arg1, %mul3A_40 : i32
    %add3A_42 = arith.constant 4 : i32
    %add3A_43 = arith.addi %mul3A_41, %add3A_42 : i32
    %mul3A_44 = arith.constant 128 : i32
    %mul3A_45 = arith.muli %add3A_43, %mul3A_44 : i32
    "tpu.region"() ({
      %run_scoped3A = tpu.sem_alloc : memref<!tpu.dma_semaphore, #tpu.memory_space<semaphore_mem>>
      %dma_start3A = arith.constant 0 : i32
      %dma_start3A_58 = arith.constant 0 : i32
      %dma_start3A_59 = tpu.memref_slice %arg8[%dma_start3A, %dma_start3A_58] : memref<256x128xf32, #tpu.memory_space<vmem>> -> memref<128x128xf32, #tpu.memory_space<vmem>>
      %dma_start3A_60 = arith.constant 0 : i32
      %dma_start3A_61 = tpu.memref_slice %arg9[%mul3A_45, %dma_start3A_60] : memref<10240x128xf32, #tpu.memory_space<vmem_shared>> -> memref<128x128xf32, #tpu.memory_space<vmem_shared>>
      %dma_start3A_62 = arith.constant 0 : i32
      %dma_start3A_63 = tpu.memref_slice %arg9[%mul3A_45, %dma_start3A_62] : memref<10240x128xf32, #tpu.memory_space<vmem_shared>> -> memref<128x128xf32, #tpu.memory_space<vmem_shared>>
      %dma_start3A_64 = arith.constant 0 : i32
      %dma_start3A_65 = arith.constant 0 : i32
      %dma_start3A_66 = tpu.memref_slice %arg8[%dma_start3A_64, %dma_start3A_65] : memref<256x128xf32, #tpu.memory_space<vmem>> -> memref<128x128xf32, #tpu.memory_space<vmem>>
      tpu.enqueue_dma source(%dma_start3A_66 : memref<128x128xf32, #tpu.memory_space<vmem>>) target(%dma_start3A_63 : memref<128x128xf32, #tpu.memory_space<vmem_shared>>) target_semaphore(%run_scoped3A : memref<!tpu.dma_semaphore, #tpu.memory_space<semaphore_mem>>)
      %dma_wait3A = arith.constant 0 : i32
      %dma_wait3A_67 = arith.constant 0 : i32
      %dma_wait3A_68 = tpu.memref_slice %arg8[%dma_wait3A, %dma_wait3A_67] : memref<256x128xf32, #tpu.memory_space<vmem>> -> memref<128x128xf32, #tpu.memory_space<vmem>>
      %dma_wait3A_69 = arith.constant 0 : i32
      %dma_wait3A_70 = tpu.memref_slice %arg9[%mul3A_45, %dma_wait3A_69] : memref<10240x128xf32, #tpu.memory_space<vmem_shared>> -> memref<128x128xf32, #tpu.memory_space<vmem_shared>>
      %dma_wait3A_71 = arith.constant 0 : i32
      %dma_wait3A_72 = tpu.memref_slice %arg9[%mul3A_45, %dma_wait3A_71] : memref<10240x128xf32, #tpu.memory_space<vmem_shared>> -> memref<128x128xf32, #tpu.memory_space<vmem_shared>>
      %dma_wait3A_73 = arith.constant 0 : i32
      %dma_wait3A_74 = arith.constant 0 : i32
      %dma_wait3A_75 = tpu.memref_slice %arg8[%dma_wait3A_73, %dma_wait3A_74] : memref<256x128xf32, #tpu.memory_space<vmem>> -> memref<128x128xf32, #tpu.memory_space<vmem>>
      tpu.wait_dma2 semaphore(%run_scoped3A : memref<!tpu.dma_semaphore, #tpu.memory_space<semaphore_mem>>) src(%dma_wait3A_75 : memref<128x128xf32, #tpu.memory_space<vmem>>) dst(%dma_wait3A_72 : memref<128x128xf32, #tpu.memory_space<vmem_shared>>)
      tpu.yield
    }) : () -> ()
    %barrier3A = arith.constant 0 : index
    tpu.barrier barrier_id(%barrier3A)
    %gt3A = arith.constant 0 : i32
    %gt3A_46 = arith.cmpi sgt, %select_n3A, %gt3A : i32
    %convert_element_type3A = arith.extui %gt3A_46 : i1 to i32
    %cond3A = arith.constant 0 : i32
    %cond3A_47 = arith.cmpi ne, %convert_element_type3A, %cond3A : i32
    scf.if %cond3A_47 {
      %add3A_58 = arith.constant 0 : i32
      %add3A_59 = arith.addi %select_n3A_8, %add3A_58 : i32
      %multiple_of3A = tpu.assume_multiple %add3A_59, 8 : i32
      "tpu.region"() ({
        %run_scoped3A = tpu.sem_alloc : memref<!tpu.dma_semaphore, #tpu.memory_space<semaphore_mem>>
        %dma_start3A = arith.constant 0 : i32
        %dma_start3A_67 = tpu.memref_slice %arg3[%multiple_of3A, %dma_start3A] : memref<2640x128xi32, #tpu.memory_space<hbm>> -> memref<40x128xi32, #tpu.memory_space<hbm>>
        %dma_start3A_68 = arith.constant 0 : i32
        %dma_start3A_69 = tpu.memref_slice %arg3[%multiple_of3A, %dma_start3A_68] : memref<2640x128xi32, #tpu.memory_space<hbm>> -> memref<40x128xi32, #tpu.memory_space<hbm>>
        tpu.enqueue_dma source(%dma_start3A_69 : memref<40x128xi32, #tpu.memory_space<hbm>>) target(%arg6 : memref<40x128xi32, #tpu.memory_space<vmem>>) target_semaphore(%run_scoped3A : memref<!tpu.dma_semaphore, #tpu.memory_space<semaphore_mem>>)
        %dma_wait3A = arith.constant 0 : i32
        %dma_wait3A_70 = tpu.memref_slice %arg3[%multiple_of3A, %dma_wait3A] : memref<2640x128xi32, #tpu.memory_space<hbm>> -> memref<40x128xi32, #tpu.memory_space<hbm>>
        %dma_wait3A_71 = arith.constant 0 : i32
        %dma_wait3A_72 = tpu.memref_slice %arg3[%multiple_of3A, %dma_wait3A_71] : memref<2640x128xi32, #tpu.memory_space<hbm>> -> memref<40x128xi32, #tpu.memory_space<hbm>>
        tpu.wait_dma2 semaphore(%run_scoped3A : memref<!tpu.dma_semaphore, #tpu.memory_space<semaphore_mem>>) src(%dma_wait3A_72 : memref<40x128xi32, #tpu.memory_space<hbm>>) dst(%arg6 : memref<40x128xi32, #tpu.memory_space<vmem>>)
        tpu.yield
      }) : () -> ()
      "tpu.region"() ({
        %run_scoped3A = tpu.sem_alloc : memref<!tpu.dma_semaphore, #tpu.memory_space<semaphore_mem>>
        %dma_start3A = arith.constant 0 : i32
        %dma_start3A_67 = tpu.memref_slice %arg4[%multiple_of3A, %dma_start3A] : memref<2640x128xi32, #tpu.memory_space<hbm>> -> memref<40x128xi32, #tpu.memory_space<hbm>>
        %dma_start3A_68 = arith.constant 0 : i32
        %dma_start3A_69 = tpu.memref_slice %arg4[%multiple_of3A, %dma_start3A_68] : memref<2640x128xi32, #tpu.memory_space<hbm>> -> memref<40x128xi32, #tpu.memory_space<hbm>>
        tpu.enqueue_dma source(%dma_start3A_69 : memref<40x128xi32, #tpu.memory_space<hbm>>) target(%arg7 : memref<40x128xi32, #tpu.memory_space<vmem>>) target_semaphore(%run_scoped3A : memref<!tpu.dma_semaphore, #tpu.memory_space<semaphore_mem>>)
        %dma_wait3A = arith.constant 0 : i32
        %dma_wait3A_70 = tpu.memref_slice %arg4[%multiple_of3A, %dma_wait3A] : memref<2640x128xi32, #tpu.memory_space<hbm>> -> memref<40x128xi32, #tpu.memory_space<hbm>>
        %dma_wait3A_71 = arith.constant 0 : i32
        %dma_wait3A_72 = tpu.memref_slice %arg4[%multiple_of3A, %dma_wait3A_71] : memref<2640x128xi32, #tpu.memory_space<hbm>> -> memref<40x128xi32, #tpu.memory_space<hbm>>
        tpu.wait_dma2 semaphore(%run_scoped3A : memref<!tpu.dma_semaphore, #tpu.memory_space<semaphore_mem>>) src(%dma_wait3A_72 : memref<40x128xi32, #tpu.memory_space<hbm>>) dst(%arg7 : memref<40x128xi32, #tpu.memory_space<vmem>>)
        tpu.yield
      }) : () -> ()
      %scan3A_60 = arith.constant 0 : i32
      %scan3A_61 = arith.constant 0 : i32
      %scan3A_62 = arith.constant 41 : i32
      %scan3A_63 = arith.addi %scan3A_61, %scan3A_62 : i32
      %scan3A_64 = arith.constant 1 : i32
      %scan3A_65 = scf.for %scan3A_67 = %scan3A_61 to %scan3A_63 step %scan3A_64 iter_args(%scan3A_68 = %scan3A_60) -> (i32)  : i32 {
        %lt3A = arith.constant 40 : i32
        %lt3A_69 = arith.cmpi slt, %scan3A_67, %lt3A : i32
        %convert_element_type3A_70 = arith.extui %lt3A_69 : i1 to i32
        %cond3A_71 = arith.constant 0 : i32
        %cond3A_72 = arith.cmpi ne, %convert_element_type3A_70, %cond3A_71 : i32
        scf.if %cond3A_72 {
          %jit3A_79 = arith.constant 2 : i32
          %eq3A_80 = arith.constant 0 : i32
          %eq3A_81 = arith.cmpi eq, %jit3A_79, %eq3A_80 : i32
          %jit3A_82 = arith.constant 1 : i32
          %select_n3A_83 = arith.select %eq3A_81, %jit3A_82, %jit3A_79 : i32
          %rem3A = arith.remsi %scan3A_67, %select_n3A_83 : i32
          %ne3A = arith.constant 0 : i32
          %ne3A_84 = arith.cmpi ne, %rem3A, %ne3A : i32
          %lt3A_85 = arith.constant 0 : i32
          %lt3A_86 = arith.cmpi slt, %rem3A, %lt3A_85 : i32
          %lt3A_87 = arith.constant 0 : i32
          %lt3A_88 = arith.cmpi slt, %select_n3A_83, %lt3A_87 : i32
          %ne3A_89 = arith.xori %lt3A_86, %lt3A_88 : i1
          %and3A = arith.andi %ne3A_89, %ne3A_84 : i1
          %add3A_90 = arith.addi %rem3A, %select_n3A_83 : i32
          %select_n3A_91 = arith.select %and3A, %add3A_90, %rem3A : i32
          %mul3A_92 = arith.constant 128 : i32
          %mul3A_93 = arith.muli %select_n3A_91, %mul3A_92 : i32
          %dma_start3A = arith.constant 0 : i32
          %dma_start3A_94 = tpu.memref_slice %arg8[%mul3A_93, %dma_start3A] : memref<256x128xf32, #tpu.memory_space<vmem>> -> memref<128x128xf32, #tpu.memory_space<vmem>>
          %dma_start3A_95 = arith.constant 0 : i32
          %dma_start3A_96 = tpu.memref_slice %arg6[%scan3A_67, %dma_start3A_95] : memref<40x128xi32, #tpu.memory_space<vmem>> -> memref<1x128xi32, #tpu.memory_space<vmem>>
          %dma_start3A_97 = tpu.memref_squeeze %dma_start3A_96 : memref<1x128xi32, #tpu.memory_space<vmem>> -> memref<128xi32, #tpu.memory_space<vmem>>
          %dma_start3A_98 = arith.constant 0 : i32
          %dma_start3A_99 = arith.constant 0 : i32
          %dma_start3A_100 = tpu.memref_slice %arg2[%dma_start3A_98, %dma_start3A_99] : memref<20000x128xf32, #tpu.memory_space<hbm>> -> memref<20000x128xf32, #tpu.memory_space<hbm>>
          tpu.enqueue_indirect_dma source(%dma_start3A_100 : memref<20000x128xf32, #tpu.memory_space<hbm>>) target(%dma_start3A_94 : memref<128x128xf32, #tpu.memory_space<vmem>>) offsets(%dma_start3A_97 : memref<128xi32, #tpu.memory_space<vmem>>) semaphore(%arg10 : memref<!tpu.dma_semaphore, #tpu.memory_space<semaphore_mem>>)
        } else {
        }
        %gt3A_73 = arith.constant 0 : i32
        %gt3A_74 = arith.cmpi sgt, %scan3A_67, %gt3A_73 : i32
        %convert_element_type3A_75 = arith.extui %gt3A_74 : i1 to i32
        %cond3A_76 = arith.constant 0 : i32
        %cond3A_77 = arith.cmpi ne, %convert_element_type3A_75, %cond3A_76 : i32
        scf.if %cond3A_77 {
          %sub3A = arith.constant 1 : i32
          %sub3A_79 = arith.subi %scan3A_67, %sub3A : i32
          %jit3A_80 = arith.constant 2 : i32
          %eq3A_81 = arith.constant 0 : i32
          %eq3A_82 = arith.cmpi eq, %jit3A_80, %eq3A_81 : i32
          %jit3A_83 = arith.constant 1 : i32
          %select_n3A_84 = arith.select %eq3A_82, %jit3A_83, %jit3A_80 : i32
          %rem3A = arith.remsi %sub3A_79, %select_n3A_84 : i32
          %ne3A = arith.constant 0 : i32
          %ne3A_85 = arith.cmpi ne, %rem3A, %ne3A : i32
          %lt3A_86 = arith.constant 0 : i32
          %lt3A_87 = arith.cmpi slt, %rem3A, %lt3A_86 : i32
          %lt3A_88 = arith.constant 0 : i32
          %lt3A_89 = arith.cmpi slt, %select_n3A_84, %lt3A_88 : i32
          %ne3A_90 = arith.xori %lt3A_87, %lt3A_89 : i1
          %and3A = arith.andi %ne3A_90, %ne3A_85 : i1
          %add3A_91 = arith.addi %rem3A, %select_n3A_84 : i32
          %select_n3A_92 = arith.select %and3A, %add3A_91, %rem3A : i32
          %mul3A_93 = arith.constant 128 : i32
          %mul3A_94 = arith.muli %select_n3A_92, %mul3A_93 : i32
          %dma_wait3A = arith.constant 0 : i32
          %dma_wait3A_95 = tpu.memref_slice %arg8[%mul3A_94, %dma_wait3A] : memref<256x128xf32, #tpu.memory_space<vmem>> -> memref<128x128xf32, #tpu.memory_space<vmem>>
          %dma_wait3A_96 = arith.constant 0 : i32
          %dma_wait3A_97 = tpu.memref_slice %arg6[%sub3A_79, %dma_wait3A_96] : memref<40x128xi32, #tpu.memory_space<vmem>> -> memref<1x128xi32, #tpu.memory_space<vmem>>
          %dma_wait3A_98 = tpu.memref_squeeze %dma_wait3A_97 : memref<1x128xi32, #tpu.memory_space<vmem>> -> memref<128xi32, #tpu.memory_space<vmem>>
          %dma_wait3A_99 = arith.constant 0 : i32
          %dma_wait3A_100 = arith.constant 0 : i32
          %dma_wait3A_101 = tpu.memref_slice %arg2[%dma_wait3A_99, %dma_wait3A_100] : memref<20000x128xf32, #tpu.memory_space<hbm>> -> memref<20000x128xf32, #tpu.memory_space<hbm>>
          tpu.wait_indirect_dma semaphore(%arg10 : memref<!tpu.dma_semaphore, #tpu.memory_space<semaphore_mem>>) src(%dma_wait3A_101 : memref<20000x128xf32, #tpu.memory_space<hbm>>) dst(%dma_wait3A_95 : memref<128x128xf32, #tpu.memory_space<vmem>>)
          %mul3A_102 = arith.constant 128 : i32
          %mul3A_103 = arith.muli %select_n3A_92, %mul3A_102 : i32
          "tpu.region"() ({
            %run_scoped3A = tpu.sem_alloc : memref<!tpu.dma_semaphore, #tpu.memory_space<semaphore_mem>>
            %dma_start3A = arith.constant 0 : i32
            %dma_start3A_104 = tpu.memref_slice %arg8[%mul3A_103, %dma_start3A] : memref<256x128xf32, #tpu.memory_space<vmem>> -> memref<128x128xf32, #tpu.memory_space<vmem>>
            %dma_start3A_105 = arith.constant 0 : i32
            %dma_start3A_106 = tpu.memref_slice %arg7[%sub3A_79, %dma_start3A_105] : memref<40x128xi32, #tpu.memory_space<vmem>> -> memref<1x128xi32, #tpu.memory_space<vmem>>
            %dma_start3A_107 = tpu.memref_squeeze %dma_start3A_106 : memref<1x128xi32, #tpu.memory_space<vmem>> -> memref<128xi32, #tpu.memory_space<vmem>>
            %dma_start3A_108 = arith.constant 0 : i32
            %dma_start3A_109 = arith.constant 0 : i32
            %dma_start3A_110 = tpu.memref_slice %arg9[%dma_start3A_108, %dma_start3A_109] : memref<10240x128xf32, #tpu.memory_space<vmem_shared>> -> memref<10240x128xf32, #tpu.memory_space<vmem_shared>>
            tpu.enqueue_indirect_dma source(%dma_start3A_104 : memref<128x128xf32, #tpu.memory_space<vmem>>) target(%dma_start3A_110 : memref<10240x128xf32, #tpu.memory_space<vmem_shared>>) offsets(%dma_start3A_107 : memref<128xi32, #tpu.memory_space<vmem>>) semaphore(%run_scoped3A : memref<!tpu.dma_semaphore, #tpu.memory_space<semaphore_mem>>) {add = true}
            %dma_wait3A_111 = arith.constant 0 : i32
            %dma_wait3A_112 = tpu.memref_slice %arg8[%mul3A_103, %dma_wait3A_111] : memref<256x128xf32, #tpu.memory_space<vmem>> -> memref<128x128xf32, #tpu.memory_space<vmem>>
            %dma_wait3A_113 = arith.constant 0 : i32
            %dma_wait3A_114 = tpu.memref_slice %arg7[%sub3A_79, %dma_wait3A_113] : memref<40x128xi32, #tpu.memory_space<vmem>> -> memref<1x128xi32, #tpu.memory_space<vmem>>
            %dma_wait3A_115 = tpu.memref_squeeze %dma_wait3A_114 : memref<1x128xi32, #tpu.memory_space<vmem>> -> memref<128xi32, #tpu.memory_space<vmem>>
            %dma_wait3A_116 = arith.constant 0 : i32
            %dma_wait3A_117 = arith.constant 0 : i32
            %dma_wait3A_118 = tpu.memref_slice %arg9[%dma_wait3A_116, %dma_wait3A_117] : memref<10240x128xf32, #tpu.memory_space<vmem_shared>> -> memref<10240x128xf32, #tpu.memory_space<vmem_shared>>
            tpu.wait_indirect_dma semaphore(%run_scoped3A : memref<!tpu.dma_semaphore, #tpu.memory_space<semaphore_mem>>) src(%dma_wait3A_112 : memref<128x128xf32, #tpu.memory_space<vmem>>) dst(%dma_wait3A_118 : memref<10240x128xf32, #tpu.memory_space<vmem_shared>>)
            tpu.yield
          }) : () -> ()
        } else {
        }
        %scan3A_78 = arith.constant 0 : i32
        scf.yield %scan3A_78 : i32
      }
      %scan3A_66 = arith.constant 41 : i32
    } else {
    }
    %gt3A_48 = arith.constant 40 : i32
    %gt3A_49 = arith.cmpi sgt, %select_n3A, %gt3A_48 : i32
    %convert_element_type3A_50 = arith.extui %gt3A_49 : i1 to i32
    %cond3A_51 = arith.constant 0 : i32
    %cond3A_52 = arith.cmpi ne, %convert_element_type3A_50, %cond3A_51 : i32
    scf.if %cond3A_52 {
      %add3A_58 = arith.constant 40 : i32
      %add3A_59 = arith.addi %select_n3A_8, %add3A_58 : i32
      %multiple_of3A = tpu.assume_multiple %add3A_59, 8 : i32
      "tpu.region"() ({
        %run_scoped3A = tpu.sem_alloc : memref<!tpu.dma_semaphore, #tpu.memory_space<semaphore_mem>>
        %dma_start3A = arith.constant 0 : i32
        %dma_start3A_67 = tpu.memref_slice %arg3[%multiple_of3A, %dma_start3A] : memref<2640x128xi32, #tpu.memory_space<hbm>> -> memref<40x128xi32, #tpu.memory_space<hbm>>
        %dma_start3A_68 = arith.constant 0 : i32
        %dma_start3A_69 = tpu.memref_slice %arg3[%multiple_of3A, %dma_start3A_68] : memref<2640x128xi32, #tpu.memory_space<hbm>> -> memref<40x128xi32, #tpu.memory_space<hbm>>
        tpu.enqueue_dma source(%dma_start3A_69 : memref<40x128xi32, #tpu.memory_space<hbm>>) target(%arg6 : memref<40x128xi32, #tpu.memory_space<vmem>>) target_semaphore(%run_scoped3A : memref<!tpu.dma_semaphore, #tpu.memory_space<semaphore_mem>>)
        %dma_wait3A = arith.constant 0 : i32
        %dma_wait3A_70 = tpu.memref_slice %arg3[%multiple_of3A, %dma_wait3A] : memref<2640x128xi32, #tpu.memory_space<hbm>> -> memref<40x128xi32, #tpu.memory_space<hbm>>
        %dma_wait3A_71 = arith.constant 0 : i32
        %dma_wait3A_72 = tpu.memref_slice %arg3[%multiple_of3A, %dma_wait3A_71] : memref<2640x128xi32, #tpu.memory_space<hbm>> -> memref<40x128xi32, #tpu.memory_space<hbm>>
        tpu.wait_dma2 semaphore(%run_scoped3A : memref<!tpu.dma_semaphore, #tpu.memory_space<semaphore_mem>>) src(%dma_wait3A_72 : memref<40x128xi32, #tpu.memory_space<hbm>>) dst(%arg6 : memref<40x128xi32, #tpu.memory_space<vmem>>)
        tpu.yield
      }) : () -> ()
      "tpu.region"() ({
        %run_scoped3A = tpu.sem_alloc : memref<!tpu.dma_semaphore, #tpu.memory_space<semaphore_mem>>
        %dma_start3A = arith.constant 0 : i32
        %dma_start3A_67 = tpu.memref_slice %arg4[%multiple_of3A, %dma_start3A] : memref<2640x128xi32, #tpu.memory_space<hbm>> -> memref<40x128xi32, #tpu.memory_space<hbm>>
        %dma_start3A_68 = arith.constant 0 : i32
        %dma_start3A_69 = tpu.memref_slice %arg4[%multiple_of3A, %dma_start3A_68] : memref<2640x128xi32, #tpu.memory_space<hbm>> -> memref<40x128xi32, #tpu.memory_space<hbm>>
        tpu.enqueue_dma source(%dma_start3A_69 : memref<40x128xi32, #tpu.memory_space<hbm>>) target(%arg7 : memref<40x128xi32, #tpu.memory_space<vmem>>) target_semaphore(%run_scoped3A : memref<!tpu.dma_semaphore, #tpu.memory_space<semaphore_mem>>)
        %dma_wait3A = arith.constant 0 : i32
        %dma_wait3A_70 = tpu.memref_slice %arg4[%multiple_of3A, %dma_wait3A] : memref<2640x128xi32, #tpu.memory_space<hbm>> -> memref<40x128xi32, #tpu.memory_space<hbm>>
        %dma_wait3A_71 = arith.constant 0 : i32
        %dma_wait3A_72 = tpu.memref_slice %arg4[%multiple_of3A, %dma_wait3A_71] : memref<2640x128xi32, #tpu.memory_space<hbm>> -> memref<40x128xi32, #tpu.memory_space<hbm>>
        tpu.wait_dma2 semaphore(%run_scoped3A : memref<!tpu.dma_semaphore, #tpu.memory_space<semaphore_mem>>) src(%dma_wait3A_72 : memref<40x128xi32, #tpu.memory_space<hbm>>) dst(%arg7 : memref<40x128xi32, #tpu.memory_space<vmem>>)
        tpu.yield
      }) : () -> ()
      %scan3A_60 = arith.constant 0 : i32
      %scan3A_61 = arith.constant 0 : i32
      %scan3A_62 = arith.constant 41 : i32
      %scan3A_63 = arith.addi %scan3A_61, %scan3A_62 : i32
      %scan3A_64 = arith.constant 1 : i32
      %scan3A_65 = scf.for %scan3A_67 = %scan3A_61 to %scan3A_63 step %scan3A_64 iter_args(%scan3A_68 = %scan3A_60) -> (i32)  : i32 {
        %lt3A = arith.constant 40 : i32
        %lt3A_69 = arith.cmpi slt, %scan3A_67, %lt3A : i32
        %convert_element_type3A_70 = arith.extui %lt3A_69 : i1 to i32
        %cond3A_71 = arith.constant 0 : i32
        %cond3A_72 = arith.cmpi ne, %convert_element_type3A_70, %cond3A_71 : i32
        scf.if %cond3A_72 {
          %jit3A_79 = arith.constant 2 : i32
          %eq3A_80 = arith.constant 0 : i32
          %eq3A_81 = arith.cmpi eq, %jit3A_79, %eq3A_80 : i32
          %jit3A_82 = arith.constant 1 : i32
          %select_n3A_83 = arith.select %eq3A_81, %jit3A_82, %jit3A_79 : i32
          %rem3A = arith.remsi %scan3A_67, %select_n3A_83 : i32
          %ne3A = arith.constant 0 : i32
          %ne3A_84 = arith.cmpi ne, %rem3A, %ne3A : i32
          %lt3A_85 = arith.constant 0 : i32
          %lt3A_86 = arith.cmpi slt, %rem3A, %lt3A_85 : i32
          %lt3A_87 = arith.constant 0 : i32
          %lt3A_88 = arith.cmpi slt, %select_n3A_83, %lt3A_87 : i32
          %ne3A_89 = arith.xori %lt3A_86, %lt3A_88 : i1
          %and3A = arith.andi %ne3A_89, %ne3A_84 : i1
          %add3A_90 = arith.addi %rem3A, %select_n3A_83 : i32
          %select_n3A_91 = arith.select %and3A, %add3A_90, %rem3A : i32
          %mul3A_92 = arith.constant 128 : i32
          %mul3A_93 = arith.muli %select_n3A_91, %mul3A_92 : i32
          %dma_start3A = arith.constant 0 : i32
          %dma_start3A_94 = tpu.memref_slice %arg8[%mul3A_93, %dma_start3A] : memref<256x128xf32, #tpu.memory_space<vmem>> -> memref<128x128xf32, #tpu.memory_space<vmem>>
          %dma_start3A_95 = arith.constant 0 : i32
          %dma_start3A_96 = tpu.memref_slice %arg6[%scan3A_67, %dma_start3A_95] : memref<40x128xi32, #tpu.memory_space<vmem>> -> memref<1x128xi32, #tpu.memory_space<vmem>>
          %dma_start3A_97 = tpu.memref_squeeze %dma_start3A_96 : memref<1x128xi32, #tpu.memory_space<vmem>> -> memref<128xi32, #tpu.memory_space<vmem>>
          %dma_start3A_98 = arith.constant 0 : i32
          %dma_start3A_99 = arith.constant 0 : i32
          %dma_start3A_100 = tpu.memref_slice %arg2[%dma_start3A_98, %dma_start3A_99] : memref<20000x128xf32, #tpu.memory_space<hbm>> -> memref<20000x128xf32, #tpu.memory_space<hbm>>
          tpu.enqueue_indirect_dma source(%dma_start3A_100 : memref<20000x128xf32, #tpu.memory_space<hbm>>) target(%dma_start3A_94 : memref<128x128xf32, #tpu.memory_space<vmem>>) offsets(%dma_start3A_97 : memref<128xi32, #tpu.memory_space<vmem>>) semaphore(%arg10 : memref<!tpu.dma_semaphore, #tpu.memory_space<semaphore_mem>>)
        } else {
        }
        %gt3A_73 = arith.constant 0 : i32
        %gt3A_74 = arith.cmpi sgt, %scan3A_67, %gt3A_73 : i32
        %convert_element_type3A_75 = arith.extui %gt3A_74 : i1 to i32
        %cond3A_76 = arith.constant 0 : i32
        %cond3A_77 = arith.cmpi ne, %convert_element_type3A_75, %cond3A_76 : i32
        scf.if %cond3A_77 {
          %sub3A = arith.constant 1 : i32
          %sub3A_79 = arith.subi %scan3A_67, %sub3A : i32
          %jit3A_80 = arith.constant 2 : i32
          %eq3A_81 = arith.constant 0 : i32
          %eq3A_82 = arith.cmpi eq, %jit3A_80, %eq3A_81 : i32
          %jit3A_83 = arith.constant 1 : i32
          %select_n3A_84 = arith.select %eq3A_82, %jit3A_83, %jit3A_80 : i32
          %rem3A = arith.remsi %sub3A_79, %select_n3A_84 : i32
          %ne3A = arith.constant 0 : i32
          %ne3A_85 = arith.cmpi ne, %rem3A, %ne3A : i32
          %lt3A_86 = arith.constant 0 : i32
          %lt3A_87 = arith.cmpi slt, %rem3A, %lt3A_86 : i32
          %lt3A_88 = arith.constant 0 : i32
          %lt3A_89 = arith.cmpi slt, %select_n3A_84, %lt3A_88 : i32
          %ne3A_90 = arith.xori %lt3A_87, %lt3A_89 : i1
          %and3A = arith.andi %ne3A_90, %ne3A_85 : i1
          %add3A_91 = arith.addi %rem3A, %select_n3A_84 : i32
          %select_n3A_92 = arith.select %and3A, %add3A_91, %rem3A : i32
          %mul3A_93 = arith.constant 128 : i32
          %mul3A_94 = arith.muli %select_n3A_92, %mul3A_93 : i32
          %dma_wait3A = arith.constant 0 : i32
          %dma_wait3A_95 = tpu.memref_slice %arg8[%mul3A_94, %dma_wait3A] : memref<256x128xf32, #tpu.memory_space<vmem>> -> memref<128x128xf32, #tpu.memory_space<vmem>>
          %dma_wait3A_96 = arith.constant 0 : i32
          %dma_wait3A_97 = tpu.memref_slice %arg6[%sub3A_79, %dma_wait3A_96] : memref<40x128xi32, #tpu.memory_space<vmem>> -> memref<1x128xi32, #tpu.memory_space<vmem>>
          %dma_wait3A_98 = tpu.memref_squeeze %dma_wait3A_97 : memref<1x128xi32, #tpu.memory_space<vmem>> -> memref<128xi32, #tpu.memory_space<vmem>>
          %dma_wait3A_99 = arith.constant 0 : i32
          %dma_wait3A_100 = arith.constant 0 : i32
          %dma_wait3A_101 = tpu.memref_slice %arg2[%dma_wait3A_99, %dma_wait3A_100] : memref<20000x128xf32, #tpu.memory_space<hbm>> -> memref<20000x128xf32, #tpu.memory_space<hbm>>
          tpu.wait_indirect_dma semaphore(%arg10 : memref<!tpu.dma_semaphore, #tpu.memory_space<semaphore_mem>>) src(%dma_wait3A_101 : memref<20000x128xf32, #tpu.memory_space<hbm>>) dst(%dma_wait3A_95 : memref<128x128xf32, #tpu.memory_space<vmem>>)
          %mul3A_102 = arith.constant 128 : i32
          %mul3A_103 = arith.muli %select_n3A_92, %mul3A_102 : i32
          "tpu.region"() ({
            %run_scoped3A = tpu.sem_alloc : memref<!tpu.dma_semaphore, #tpu.memory_space<semaphore_mem>>
            %dma_start3A = arith.constant 0 : i32
            %dma_start3A_104 = tpu.memref_slice %arg8[%mul3A_103, %dma_start3A] : memref<256x128xf32, #tpu.memory_space<vmem>> -> memref<128x128xf32, #tpu.memory_space<vmem>>
            %dma_start3A_105 = arith.constant 0 : i32
            %dma_start3A_106 = tpu.memref_slice %arg7[%sub3A_79, %dma_start3A_105] : memref<40x128xi32, #tpu.memory_space<vmem>> -> memref<1x128xi32, #tpu.memory_space<vmem>>
            %dma_start3A_107 = tpu.memref_squeeze %dma_start3A_106 : memref<1x128xi32, #tpu.memory_space<vmem>> -> memref<128xi32, #tpu.memory_space<vmem>>
            %dma_start3A_108 = arith.constant 0 : i32
            %dma_start3A_109 = arith.constant 0 : i32
            %dma_start3A_110 = tpu.memref_slice %arg9[%dma_start3A_108, %dma_start3A_109] : memref<10240x128xf32, #tpu.memory_space<vmem_shared>> -> memref<10240x128xf32, #tpu.memory_space<vmem_shared>>
            tpu.enqueue_indirect_dma source(%dma_start3A_104 : memref<128x128xf32, #tpu.memory_space<vmem>>) target(%dma_start3A_110 : memref<10240x128xf32, #tpu.memory_space<vmem_shared>>) offsets(%dma_start3A_107 : memref<128xi32, #tpu.memory_space<vmem>>) semaphore(%run_scoped3A : memref<!tpu.dma_semaphore, #tpu.memory_space<semaphore_mem>>) {add = true}
            %dma_wait3A_111 = arith.constant 0 : i32
            %dma_wait3A_112 = tpu.memref_slice %arg8[%mul3A_103, %dma_wait3A_111] : memref<256x128xf32, #tpu.memory_space<vmem>> -> memref<128x128xf32, #tpu.memory_space<vmem>>
            %dma_wait3A_113 = arith.constant 0 : i32
            %dma_wait3A_114 = tpu.memref_slice %arg7[%sub3A_79, %dma_wait3A_113] : memref<40x128xi32, #tpu.memory_space<vmem>> -> memref<1x128xi32, #tpu.memory_space<vmem>>
            %dma_wait3A_115 = tpu.memref_squeeze %dma_wait3A_114 : memref<1x128xi32, #tpu.memory_space<vmem>> -> memref<128xi32, #tpu.memory_space<vmem>>
            %dma_wait3A_116 = arith.constant 0 : i32
            %dma_wait3A_117 = arith.constant 0 : i32
            %dma_wait3A_118 = tpu.memref_slice %arg9[%dma_wait3A_116, %dma_wait3A_117] : memref<10240x128xf32, #tpu.memory_space<vmem_shared>> -> memref<10240x128xf32, #tpu.memory_space<vmem_shared>>
            tpu.wait_indirect_dma semaphore(%run_scoped3A : memref<!tpu.dma_semaphore, #tpu.memory_space<semaphore_mem>>) src(%dma_wait3A_112 : memref<128x128xf32, #tpu.memory_space<vmem>>) dst(%dma_wait3A_118 : memref<10240x128xf32, #tpu.memory_space<vmem_shared>>)
            tpu.yield
          }) : () -> ()
        } else {
        }
        %scan3A_78 = arith.constant 0 : i32
        scf.yield %scan3A_78 : i32
      }
      %scan3A_66 = arith.constant 41 : i32
    } else {
    }
    %barrier3A_53 = arith.constant 0 : index
    tpu.barrier barrier_id(%barrier3A_53)
    %mul3A_54 = arith.constant 640 : i32
    %mul3A_55 = arith.muli %arg1, %mul3A_54 : i32
    %mul3A_56 = arith.constant 640 : i32
    %mul3A_57 = arith.muli %arg1, %mul3A_56 : i32
    "tpu.region"() ({
      %run_scoped3A = tpu.sem_alloc : memref<!tpu.dma_semaphore, #tpu.memory_space<semaphore_mem>>
      %dma_start3A = arith.constant 0 : i32
      %dma_start3A_58 = tpu.memref_slice %arg5[%arg0, %mul3A_57, %dma_start3A] : memref<2x10240x128xf32, #tpu.memory_space<hbm>> -> memref<1x640x128xf32, #tpu.memory_space<hbm>>
      %dma_start3A_59 = tpu.memref_squeeze %dma_start3A_58 : memref<1x640x128xf32, #tpu.memory_space<hbm>> -> memref<640x128xf32, #tpu.memory_space<hbm>>
      %dma_start3A_60 = arith.constant 0 : i32
      %dma_start3A_61 = tpu.memref_slice %arg9[%mul3A_55, %dma_start3A_60] : memref<10240x128xf32, #tpu.memory_space<vmem_shared>> -> memref<640x128xf32, #tpu.memory_space<vmem_shared>>
      tpu.enqueue_dma source(%dma_start3A_61 : memref<640x128xf32, #tpu.memory_space<vmem_shared>>) target(%dma_start3A_59 : memref<640x128xf32, #tpu.memory_space<hbm>>) target_semaphore(%run_scoped3A : memref<!tpu.dma_semaphore, #tpu.memory_space<semaphore_mem>>)
      %dma_wait3A = arith.constant 0 : i32
      %dma_wait3A_62 = tpu.memref_slice %arg5[%arg0, %mul3A_57, %dma_wait3A] : memref<2x10240x128xf32, #tpu.memory_space<hbm>> -> memref<1x640x128xf32, #tpu.memory_space<hbm>>
      %dma_wait3A_63 = tpu.memref_squeeze %dma_wait3A_62 : memref<1x640x128xf32, #tpu.memory_space<hbm>> -> memref<640x128xf32, #tpu.memory_space<hbm>>
      %dma_wait3A_64 = arith.constant 0 : i32
      %dma_wait3A_65 = tpu.memref_slice %arg9[%mul3A_55, %dma_wait3A_64] : memref<10240x128xf32, #tpu.memory_space<vmem_shared>> -> memref<640x128xf32, #tpu.memory_space<vmem_shared>>
      tpu.wait_dma2 semaphore(%run_scoped3A : memref<!tpu.dma_semaphore, #tpu.memory_space<semaphore_mem>>) src(%dma_wait3A_65 : memref<640x128xf32, #tpu.memory_space<vmem_shared>>) dst(%dma_wait3A_63 : memref<640x128xf32, #tpu.memory_space<hbm>>)
      tpu.yield
    }) : () -> ()
    return
  }
}

module attributes {stable_mosaic.version = 14 : i64} {
  func.func @body(%arg0: i32, %arg1: memref<1000x128xf32, #tpu.memory_space<vmem>>, %arg2: memref<1000x1xf32, #tpu.memory_space<vmem>>, %arg3: memref<2x33792xi32, #tpu.memory_space<vmem>>, %arg4: memref<33792xi32, #tpu.memory_space<vmem>>, %arg5: memref<1x2xi32, #tpu.memory_space<vmem>>, %arg6: memref<128x128xf32, #tpu.memory_space<vmem>>, %arg7: memref<1x128xf32, #tpu.memory_space<vmem>>, %arg8: memref<1x128xf32, #tpu.memory_space<vmem>>, %arg9: memref<128x128xf32, #tpu.memory_space<vmem>>, %arg10: memref<1x128xf32, #tpu.memory_space<vmem>>, %arg11: memref<1x128xf32, #tpu.memory_space<vmem>>, %arg12: memref<256x128xf32, #tpu.memory_space<vmem>>, %arg13: memref<1x256xf32, #tpu.memory_space<vmem>>, %arg14: memref<1x256xf32, #tpu.memory_space<vmem>>, %arg15: memref<1000x128xf32, #tpu.memory_space<vmem>>, %arg16: memref<2000x128xf32, #tpu.memory_space<vmem>>, %arg17: memref<264x128xi32, #tpu.memory_space<vmem>>, %arg18: memref<264x128xi32, #tpu.memory_space<vmem>>) attributes {dimension_semantics = [#tpu.dimension_semantics<arbitrary>], iteration_bounds = array<i64: 10>, scalar_prefetch = 0 : i64, scratch_operands = 0 : i64, tpu.core_type = #tpu.core_type<tc>, window_params = [{transform_indices = @transform_0, window_bounds = array<i64: 1000, 128>}, {transform_indices = @transform_1, window_bounds = array<i64: 1000, 1>}, {transform_indices = @transform_2, window_bounds = array<i64: 2, 33792>}, {transform_indices = @transform_3, window_bounds = array<i64: 33792>}, {pipeline_mode = #tpu.pipeline_mode<synchronous>, transform_indices = @transform_4, window_bounds = array<i64: 1, 2>}, {pipeline_mode = #tpu.pipeline_mode<synchronous>, transform_indices = @transform_5, window_bounds = array<i64: 128, 128>}, {pipeline_mode = #tpu.pipeline_mode<synchronous>, transform_indices = @transform_6, window_bounds = array<i64: 1, 128>}, {pipeline_mode = #tpu.pipeline_mode<synchronous>, transform_indices = @transform_7, window_bounds = array<i64: 1, 128>}, {pipeline_mode = #tpu.pipeline_mode<synchronous>, transform_indices = @transform_8, window_bounds = array<i64: 128, 128>}, {pipeline_mode = #tpu.pipeline_mode<synchronous>, transform_indices = @transform_9, window_bounds = array<i64: 1, 128>}, {pipeline_mode = #tpu.pipeline_mode<synchronous>, transform_indices = @transform_10, window_bounds = array<i64: 1, 128>}, {pipeline_mode = #tpu.pipeline_mode<synchronous>, transform_indices = @transform_11, window_bounds = array<i64: 256, 128>}, {pipeline_mode = #tpu.pipeline_mode<synchronous>, transform_indices = @transform_12, window_bounds = array<i64: 1, 256>}, {pipeline_mode = #tpu.pipeline_mode<synchronous>, transform_indices = @transform_13, window_bounds = array<i64: 1, 256>}, {transform_indices = @transform_14, window_bounds = array<i64: 1000, 128>}, {transform_indices = @transform_15, window_bounds = array<i64: 2000, 128>}, {transform_indices = @transform_16, window_bounds = array<i64: 264, 128>}, {transform_indices = @transform_17, window_bounds = array<i64: 264, 128>}]} {
    %get3A = arith.constant 0 : index
    %get3A_0 = arith.constant 0 : index
    %get3A_1 = vector.load %arg1[%get3A, %get3A_0] : memref<1000x128xf32, #tpu.memory_space<vmem>>, vector<1000x128xf32>
    %get3A_2 = arith.constant 0 : index
    %get3A_3 = arith.constant 0 : index
    %get3A_4 = vector.load %arg6[%get3A_2, %get3A_3] : memref<128x128xf32, #tpu.memory_space<vmem>>, vector<128x128xf32>
    %dot_general3A = arith.constant dense<0.000000e+00> : vector<1000x128xf32>
    %dot_general3A_5 = tpu.matmul %get3A_1, %get3A_4, %dot_general3A {dimension_numbers = #tpu.dot_dimension_numbers<[1], [1], [0], [0], [0, 0, 1, 0], [], []>, transpose_lhs_hint = false} : vector<1000x128xf32>, vector<128x128xf32>, vector<1000x128xf32> -> vector<1000x128xf32>
    %get3A_6 = arith.constant 0 : index
    %get3A_7 = arith.constant 0 : index
    %get3A_8 = vector.load %arg2[%get3A_6, %get3A_7] : memref<1000x1xf32, #tpu.memory_space<vmem>>, vector<1000x1xf32>
    %get3A_9 = arith.constant 0 : index
    %get3A_10 = arith.constant 0 : index
    %get3A_11 = vector.load %arg7[%get3A_9, %get3A_10] : memref<1x128xf32, #tpu.memory_space<vmem>>, vector<1x128xf32>
    %mul3A = vector.broadcast %get3A_8 : vector<1000x1xf32> to vector<1000x128xf32>
    %mul3A_12 = vector.broadcast %get3A_11 : vector<1x128xf32> to vector<1000x128xf32>
    %mul3A_13 = arith.mulf %mul3A, %mul3A_12 : vector<1000x128xf32>
    %add3A = arith.addf %dot_general3A_5, %mul3A_13 : vector<1000x128xf32>
    %get3A_14 = arith.constant 0 : index
    %get3A_15 = arith.constant 0 : index
    %get3A_16 = vector.load %arg8[%get3A_14, %get3A_15] : memref<1x128xf32, #tpu.memory_space<vmem>>, vector<1x128xf32>
    %add3A_17 = vector.broadcast %get3A_16 : vector<1x128xf32> to vector<1000x128xf32>
    %add3A_18 = arith.addf %add3A, %add3A_17 : vector<1000x128xf32>
    %max3A = arith.constant 0.000000e+00 : f32
    %max3A_19 = vector.broadcast %max3A : f32 to vector<1000x128xf32>
    %max3A_20 = arith.maximumf %add3A_18, %max3A_19 : vector<1000x128xf32>
    %get3A_21 = arith.constant 0 : index
    %get3A_22 = arith.constant 0 : index
    %get3A_23 = vector.load %arg9[%get3A_21, %get3A_22] : memref<128x128xf32, #tpu.memory_space<vmem>>, vector<128x128xf32>
    %dot_general3A_24 = arith.constant dense<0.000000e+00> : vector<1000x128xf32>
    %dot_general3A_25 = tpu.matmul %max3A_20, %get3A_23, %dot_general3A_24 {dimension_numbers = #tpu.dot_dimension_numbers<[1], [1], [0], [0], [0, 0, 1, 0], [], []>, transpose_lhs_hint = false} : vector<1000x128xf32>, vector<128x128xf32>, vector<1000x128xf32> -> vector<1000x128xf32>
    %get3A_26 = arith.constant 0 : index
    %get3A_27 = arith.constant 0 : index
    %get3A_28 = vector.load %arg10[%get3A_26, %get3A_27] : memref<1x128xf32, #tpu.memory_space<vmem>>, vector<1x128xf32>
    %get3A_29 = arith.constant 0 : index
    %get3A_30 = arith.constant 0 : index
    %get3A_31 = vector.load %arg11[%get3A_29, %get3A_30] : memref<1x128xf32, #tpu.memory_space<vmem>>, vector<1x128xf32>
    %reduce_sum3A = arith.constant dense<0.000000e+00> : vector<1000xf32>
    %reduce_sum3A_32 = vector.multi_reduction <add>, %dot_general3A_25, %reduce_sum3A [1] : vector<1000x128xf32> to vector<1000xf32>
    %broadcast_in_dim3A = vector.shape_cast %reduce_sum3A_32 : vector<1000xf32> to vector<1000x1xf32>
    %div3A = arith.constant 1.280000e+02 : f32
    %div3A_33 = vector.broadcast %div3A : f32 to vector<1000x1xf32>
    %div3A_34 = arith.divf %broadcast_in_dim3A, %div3A_33 : vector<1000x1xf32>
    %sub3A = vector.broadcast %div3A_34 : vector<1000x1xf32> to vector<1000x128xf32>
    %sub3A_35 = arith.subf %dot_general3A_25, %sub3A : vector<1000x128xf32>
    %mul3A_36 = arith.mulf %sub3A_35, %sub3A_35 : vector<1000x128xf32>
    %reduce_sum3A_37 = arith.constant dense<0.000000e+00> : vector<1000xf32>
    %reduce_sum3A_38 = vector.multi_reduction <add>, %mul3A_36, %reduce_sum3A_37 [1] : vector<1000x128xf32> to vector<1000xf32>
    %broadcast_in_dim3A_39 = vector.shape_cast %reduce_sum3A_38 : vector<1000xf32> to vector<1000x1xf32>
    %div3A_40 = arith.constant 1.280000e+02 : f32
    %div3A_41 = vector.broadcast %div3A_40 : f32 to vector<1000x1xf32>
    %div3A_42 = arith.divf %broadcast_in_dim3A_39, %div3A_41 : vector<1000x1xf32>
    %add3A_43 = arith.constant 9.99999974E-6 : f32
    %add3A_44 = vector.broadcast %add3A_43 : f32 to vector<1000x1xf32>
    %add3A_45 = arith.addf %div3A_42, %add3A_44 : vector<1000x1xf32>
    %rsqrt3A = math.rsqrt %add3A_45 : vector<1000x1xf32>
    %mul3A_46 = vector.broadcast %rsqrt3A : vector<1000x1xf32> to vector<1000x128xf32>
    %mul3A_47 = arith.mulf %sub3A_35, %mul3A_46 : vector<1000x128xf32>
    %mul3A_48 = vector.broadcast %get3A_28 : vector<1x128xf32> to vector<1000x128xf32>
    %mul3A_49 = arith.mulf %mul3A_47, %mul3A_48 : vector<1000x128xf32>
    %add3A_50 = vector.broadcast %get3A_31 : vector<1x128xf32> to vector<1000x128xf32>
    %add3A_51 = arith.addf %mul3A_49, %add3A_50 : vector<1000x128xf32>
    %swap3A = arith.constant 0 : index
    %swap3A_52 = arith.constant 0 : index
    %swap3A_53 = vector.load %arg15[%swap3A, %swap3A_52] : memref<1000x128xf32, #tpu.memory_space<vmem>>, vector<1000x128xf32>
    tpu.vector_store %arg15[%swap3A, %swap3A_52], %add3A_51 {strides = array<i32>} : memref<1000x128xf32, #tpu.memory_space<vmem>>, vector<1000x128xf32>,
    %get3A_54 = arith.constant 0 : index
    %get3A_55 = arith.constant 0 : index
    %get3A_56 = vector.load %arg12[%get3A_54, %get3A_55] : memref<256x128xf32, #tpu.memory_space<vmem>>, vector<256x128xf32>
    %dot_general3A_57 = arith.constant dense<0.000000e+00> : vector<1000x256xf32>
    %dot_general3A_58 = tpu.matmul %add3A_51, %get3A_56, %dot_general3A_57 {dimension_numbers = #tpu.dot_dimension_numbers<[1], [1], [0], [0], [0, 0, 1, 0], [], []>, transpose_lhs_hint = false} : vector<1000x128xf32>, vector<256x128xf32>, vector<1000x256xf32> -> vector<1000x256xf32>
    %get3A_59 = arith.constant 0 : index
    %get3A_60 = arith.constant 0 : index
    %get3A_61 = vector.load %arg13[%get3A_59, %get3A_60] : memref<1x256xf32, #tpu.memory_space<vmem>>, vector<1x256xf32>
    %get3A_62 = arith.constant 0 : index
    %get3A_63 = arith.constant 0 : index
    %get3A_64 = vector.load %arg14[%get3A_62, %get3A_63] : memref<1x256xf32, #tpu.memory_space<vmem>>, vector<1x256xf32>
    %reduce_sum3A_65 = arith.constant dense<0.000000e+00> : vector<1000xf32>
    %reduce_sum3A_66 = vector.multi_reduction <add>, %dot_general3A_58, %reduce_sum3A_65 [1] : vector<1000x256xf32> to vector<1000xf32>
    %broadcast_in_dim3A_67 = vector.shape_cast %reduce_sum3A_66 : vector<1000xf32> to vector<1000x1xf32>
    %div3A_68 = arith.constant 2.560000e+02 : f32
    %div3A_69 = vector.broadcast %div3A_68 : f32 to vector<1000x1xf32>
    %div3A_70 = arith.divf %broadcast_in_dim3A_67, %div3A_69 : vector<1000x1xf32>
    %sub3A_71 = vector.broadcast %div3A_70 : vector<1000x1xf32> to vector<1000x256xf32>
    %sub3A_72 = arith.subf %dot_general3A_58, %sub3A_71 : vector<1000x256xf32>
    %mul3A_73 = arith.mulf %sub3A_72, %sub3A_72 : vector<1000x256xf32>
    %reduce_sum3A_74 = arith.constant dense<0.000000e+00> : vector<1000xf32>
    %reduce_sum3A_75 = vector.multi_reduction <add>, %mul3A_73, %reduce_sum3A_74 [1] : vector<1000x256xf32> to vector<1000xf32>
    %broadcast_in_dim3A_76 = vector.shape_cast %reduce_sum3A_75 : vector<1000xf32> to vector<1000x1xf32>
    %div3A_77 = arith.constant 2.560000e+02 : f32
    %div3A_78 = vector.broadcast %div3A_77 : f32 to vector<1000x1xf32>
    %div3A_79 = arith.divf %broadcast_in_dim3A_76, %div3A_78 : vector<1000x1xf32>
    %add3A_80 = arith.constant 9.99999974E-6 : f32
    %add3A_81 = vector.broadcast %add3A_80 : f32 to vector<1000x1xf32>
    %add3A_82 = arith.addf %div3A_79, %add3A_81 : vector<1000x1xf32>
    %rsqrt3A_83 = math.rsqrt %add3A_82 : vector<1000x1xf32>
    %mul3A_84 = vector.broadcast %rsqrt3A_83 : vector<1000x1xf32> to vector<1000x256xf32>
    %mul3A_85 = arith.mulf %sub3A_72, %mul3A_84 : vector<1000x256xf32>
    %mul3A_86 = vector.broadcast %get3A_61 : vector<1x256xf32> to vector<1000x256xf32>
    %mul3A_87 = arith.mulf %mul3A_85, %mul3A_86 : vector<1000x256xf32>
    %add3A_88 = vector.broadcast %get3A_64 : vector<1x256xf32> to vector<1000x256xf32>
    %add3A_89 = arith.addf %mul3A_87, %add3A_88 : vector<1000x256xf32>
    %reshape3A = vector.shape_cast %add3A_89 : vector<1000x256xf32> to vector<2000x128xf32>
    %swap3A_90 = arith.constant 0 : index
    %swap3A_91 = arith.constant 0 : index
    %swap3A_92 = vector.load %arg16[%swap3A_90, %swap3A_91] : memref<2000x128xf32, #tpu.memory_space<vmem>>, vector<2000x128xf32>
    tpu.vector_store %arg16[%swap3A_90, %swap3A_91], %reshape3A {strides = array<i32>} : memref<2000x128xf32, #tpu.memory_space<vmem>>, vector<2000x128xf32>,
    %get3A_93 = arith.constant 0 : index
    %get3A_94 = arith.constant 0 : index
    %get3A_95 = vector.load %arg3[%get3A_93, %get3A_94] : memref<2x33792xi32, #tpu.memory_space<vmem>>, vector<1x33792xi32>
    %get3A_96 = vector.shape_cast %get3A_95 : vector<1x33792xi32> to vector<33792xi32>
    %reshape3A_97 = vector.shape_cast %get3A_96 : vector<33792xi32> to vector<264x128xi32>
    %get3A_98 = arith.constant 1 : index
    %get3A_99 = arith.constant 0 : index
    %get3A_100 = vector.load %arg3[%get3A_98, %get3A_99] : memref<2x33792xi32, #tpu.memory_space<vmem>>, vector<1x33792xi32>
    %get3A_101 = vector.shape_cast %get3A_100 : vector<1x33792xi32> to vector<33792xi32>
    %reshape3A_102 = vector.shape_cast %get3A_101 : vector<33792xi32> to vector<264x128xi32>
    %get3A_103 = arith.constant 0 : index
    %get3A_104 = vector.load %arg4[%get3A_103] : memref<33792xi32, #tpu.memory_space<vmem>>, vector<33792xi32>
    %reshape3A_105 = vector.shape_cast %get3A_104 : vector<33792xi32> to vector<264x128xi32>
    %get3A_106 = arith.constant 0 : index
    %get3A_107 = arith.constant 0 : index
    %get3A_108 = vector.load %arg5[%get3A_106, %get3A_107] : memref<1x2xi32, #tpu.memory_space<vmem>>, vector<1x2xi32>
    %mul3A_109 = arith.constant 33792 : i32
    %mul3A_110 = arith.muli %arg0, %mul3A_109 : i32
    %iota3A = tpu.iota {dimensions = array<i32: 0>} : vector<264x128xi32>
    %mul3A_111 = arith.constant 128 : i32
    %mul3A_112 = vector.broadcast %mul3A_111 : i32 to vector<264x128xi32>
    %mul3A_113 = arith.muli %iota3A, %mul3A_112 : vector<264x128xi32>
    %add3A_114 = vector.broadcast %mul3A_110 : i32 to vector<264x128xi32>
    %add3A_115 = arith.addi %add3A_114, %mul3A_113 : vector<264x128xi32>
    %iota3A_116 = tpu.iota {dimensions = array<i32: 1>} : vector<264x128xi32>
    %add3A_117 = arith.addi %add3A_115, %iota3A_116 : vector<264x128xi32>
    %ge3A = arith.constant 320000 : i32
    %ge3A_118 = vector.broadcast %ge3A : i32 to vector<264x128xi32>
    %ge3A_119 = arith.cmpi sge, %add3A_117, %ge3A_118 : vector<264x128xi32>
    %jit3A = arith.constant 20000 : i32
    %eq3A = arith.constant 0 : i32
    %eq3A_120 = arith.cmpi eq, %jit3A, %eq3A : i32
    %jit3A_121 = arith.constant 1 : i32
    %select_n3A = arith.select %eq3A_120, %jit3A_121, %jit3A : i32
    %rem3A = vector.broadcast %select_n3A : i32 to vector<264x128xi32>
    %rem3A_122 = arith.remsi %add3A_117, %rem3A : vector<264x128xi32>
    %ne3A = arith.constant 0 : i32
    %ne3A_123 = vector.broadcast %ne3A : i32 to vector<264x128xi32>
    %ne3A_124 = arith.cmpi ne, %rem3A_122, %ne3A_123 : vector<264x128xi32>
    %lt3A = arith.constant 0 : i32
    %lt3A_125 = vector.broadcast %lt3A : i32 to vector<264x128xi32>
    %lt3A_126 = arith.cmpi slt, %rem3A_122, %lt3A_125 : vector<264x128xi32>
    %lt3A_127 = arith.constant 0 : i32
    %lt3A_128 = arith.cmpi slt, %select_n3A, %lt3A_127 : i32
    %ne3A_129 = vector.broadcast %lt3A_128 : i1 to vector<264x128xi1>
    %ne3A_130 = vector.broadcast %ne3A_129 : vector<264x128xi1> to vector<264x128xi1>
    %ne3A_131 = arith.xori %lt3A_126, %ne3A_130 : vector<264x128xi1>
    %and3A = arith.andi %ne3A_131, %ne3A_124 : vector<264x128xi1>
    %add3A_132 = vector.broadcast %select_n3A : i32 to vector<264x128xi32>
    %add3A_133 = arith.addi %rem3A_122, %add3A_132 : vector<264x128xi32>
    %select_n3A_134 = arith.select %and3A, %add3A_133, %rem3A_122 : vector<264x128xi1>, vector<264x128xi32>
    %mul3A_135 = arith.constant 2 : i32
    %mul3A_136 = vector.broadcast %mul3A_135 : i32 to vector<264x128xi32>
    %mul3A_137 = arith.muli %reshape3A_102, %mul3A_136 : vector<264x128xi32>
    %add3A_138 = arith.addi %mul3A_137, %reshape3A_105 : vector<264x128xi32>
    %slice3A = vector.extract_strided_slice %get3A_108 {offsets = [0, 0], sizes = [1, 1], strides = [1, 1]} : vector<1x2xi32> to vector<1x1xi32>
    %squeeze3A = vector.extract %slice3A[0, 0] : i32 from vector<1x1xi32>
    %add3A_139 = vector.broadcast %squeeze3A : i32 to vector<264x128xi32>
    %add3A_140 = arith.addi %add3A_138, %add3A_139 : vector<264x128xi32>
    %select_n3A_141 = arith.select %ge3A_119, %select_n3A_134, %add3A_140 : vector<264x128xi1>, vector<264x128xi32>
    %swap3A_142 = arith.constant 0 : index
    %swap3A_143 = arith.constant 0 : index
    %swap3A_144 = vector.load %arg17[%swap3A_142, %swap3A_143] : memref<264x128xi32, #tpu.memory_space<vmem>>, vector<264x128xi32>
    tpu.vector_store %arg17[%swap3A_142, %swap3A_143], %select_n3A_141 {strides = array<i32>} : memref<264x128xi32, #tpu.memory_space<vmem>>, vector<264x128xi32>,
    %jit3A_145 = arith.constant 240 : i32
    %eq3A_146 = arith.constant 0 : i32
    %eq3A_147 = arith.cmpi eq, %jit3A_145, %eq3A_146 : i32
    %jit3A_148 = arith.constant 1 : i32
    %select_n3A_149 = arith.select %eq3A_147, %jit3A_148, %jit3A_145 : i32
    %rem3A_150 = vector.broadcast %select_n3A_149 : i32 to vector<264x128xi32>
    %rem3A_151 = arith.remsi %add3A_117, %rem3A_150 : vector<264x128xi32>
    %ne3A_152 = arith.constant 0 : i32
    %ne3A_153 = vector.broadcast %ne3A_152 : i32 to vector<264x128xi32>
    %ne3A_154 = arith.cmpi ne, %rem3A_151, %ne3A_153 : vector<264x128xi32>
    %lt3A_155 = arith.constant 0 : i32
    %lt3A_156 = vector.broadcast %lt3A_155 : i32 to vector<264x128xi32>
    %lt3A_157 = arith.cmpi slt, %rem3A_151, %lt3A_156 : vector<264x128xi32>
    %lt3A_158 = arith.constant 0 : i32
    %lt3A_159 = arith.cmpi slt, %select_n3A_149, %lt3A_158 : i32
    %ne3A_160 = vector.broadcast %lt3A_159 : i1 to vector<264x128xi1>
    %ne3A_161 = vector.broadcast %ne3A_160 : vector<264x128xi1> to vector<264x128xi1>
    %ne3A_162 = arith.xori %lt3A_157, %ne3A_161 : vector<264x128xi1>
    %and3A_163 = arith.andi %ne3A_162, %ne3A_154 : vector<264x128xi1>
    %add3A_164 = vector.broadcast %select_n3A_149 : i32 to vector<264x128xi32>
    %add3A_165 = arith.addi %rem3A_151, %add3A_164 : vector<264x128xi32>
    %select_n3A_166 = arith.select %and3A_163, %add3A_165, %rem3A_151 : vector<264x128xi1>, vector<264x128xi32>
    %add3A_167 = arith.constant 10000 : i32
    %add3A_168 = vector.broadcast %add3A_167 : i32 to vector<264x128xi32>
    %add3A_169 = arith.addi %add3A_168, %select_n3A_166 : vector<264x128xi32>
    %slice3A_170 = vector.extract_strided_slice %get3A_108 {offsets = [0, 1], sizes = [1, 1], strides = [1, 1]} : vector<1x2xi32> to vector<1x1xi32>
    %squeeze3A_171 = vector.extract %slice3A_170[0, 0] : i32 from vector<1x1xi32>
    %add3A_172 = vector.broadcast %squeeze3A_171 : i32 to vector<264x128xi32>
    %add3A_173 = arith.addi %reshape3A_97, %add3A_172 : vector<264x128xi32>
    %select_n3A_174 = arith.select %ge3A_119, %add3A_169, %add3A_173 : vector<264x128xi1>, vector<264x128xi32>
    %swap3A_175 = arith.constant 0 : index
    %swap3A_176 = arith.constant 0 : index
    %swap3A_177 = vector.load %arg18[%swap3A_175, %swap3A_176] : memref<264x128xi32, #tpu.memory_space<vmem>>, vector<264x128xi32>
    tpu.vector_store %arg18[%swap3A_175, %swap3A_176], %select_n3A_174 {strides = array<i32>} : memref<264x128xi32, #tpu.memory_space<vmem>>, vector<264x128xi32>,
    return
  }
  func.func @transform_0(%arg0: i32) -> (i32, i32) {
    %c0_i32 = arith.constant 0 : i32
    %c0_i32_0 = arith.constant 0 : i32
    return %arg0, %c0_i32 : i32, i32
  }
  func.func @transform_1(%arg0: i32) -> (i32, i32) {
    %c0_i32 = arith.constant 0 : i32
    %c0_i32_0 = arith.constant 0 : i32
    return %arg0, %c0_i32 : i32, i32
  }
  func.func @transform_2(%arg0: i32) -> (i32, i32) {
    %c0_i32 = arith.constant 0 : i32
    %c0_i32_0 = arith.constant 0 : i32
    return %c0_i32, %arg0 : i32, i32
  }
  func.func @transform_3(%arg0: i32) -> i32 {
    %c0_i32 = arith.constant 0 : i32
    return %arg0 : i32
  }
  func.func @transform_4(%arg0: i32) -> (i32, i32) {
    %c0_i32 = arith.constant 0 : i32
    %c0_i32_0 = arith.constant 0 : i32
    %c0_i32_1 = arith.constant 0 : i32
    return %c0_i32, %c0_i32_0 : i32, i32
  }
  func.func @transform_5(%arg0: i32) -> (i32, i32) {
    %c0_i32 = arith.constant 0 : i32
    %c0_i32_0 = arith.constant 0 : i32
    %c0_i32_1 = arith.constant 0 : i32
    return %c0_i32, %c0_i32_0 : i32, i32
  }
  func.func @transform_6(%arg0: i32) -> (i32, i32) {
    %c0_i32 = arith.constant 0 : i32
    %c0_i32_0 = arith.constant 0 : i32
    %c0_i32_1 = arith.constant 0 : i32
    return %c0_i32, %c0_i32_0 : i32, i32
  }
  func.func @transform_7(%arg0: i32) -> (i32, i32) {
    %c0_i32 = arith.constant 0 : i32
    %c0_i32_0 = arith.constant 0 : i32
    %c0_i32_1 = arith.constant 0 : i32
    return %c0_i32, %c0_i32_0 : i32, i32
  }
  func.func @transform_8(%arg0: i32) -> (i32, i32) {
    %c0_i32 = arith.constant 0 : i32
    %c0_i32_0 = arith.constant 0 : i32
    %c0_i32_1 = arith.constant 0 : i32
    return %c0_i32, %c0_i32_0 : i32, i32
  }
  func.func @transform_9(%arg0: i32) -> (i32, i32) {
    %c0_i32 = arith.constant 0 : i32
    %c0_i32_0 = arith.constant 0 : i32
    %c0_i32_1 = arith.constant 0 : i32
    return %c0_i32, %c0_i32_0 : i32, i32
  }
  func.func @transform_10(%arg0: i32) -> (i32, i32) {
    %c0_i32 = arith.constant 0 : i32
    %c0_i32_0 = arith.constant 0 : i32
    %c0_i32_1 = arith.constant 0 : i32
    return %c0_i32, %c0_i32_0 : i32, i32
  }
  func.func @transform_11(%arg0: i32) -> (i32, i32) {
    %c0_i32 = arith.constant 0 : i32
    %c0_i32_0 = arith.constant 0 : i32
    %c0_i32_1 = arith.constant 0 : i32
    return %c0_i32, %c0_i32_0 : i32, i32
  }
  func.func @transform_12(%arg0: i32) -> (i32, i32) {
    %c0_i32 = arith.constant 0 : i32
    %c0_i32_0 = arith.constant 0 : i32
    %c0_i32_1 = arith.constant 0 : i32
    return %c0_i32, %c0_i32_0 : i32, i32
  }
  func.func @transform_13(%arg0: i32) -> (i32, i32) {
    %c0_i32 = arith.constant 0 : i32
    %c0_i32_0 = arith.constant 0 : i32
    %c0_i32_1 = arith.constant 0 : i32
    return %c0_i32, %c0_i32_0 : i32, i32
  }
  func.func @transform_14(%arg0: i32) -> (i32, i32) {
    %c0_i32 = arith.constant 0 : i32
    %c0_i32_0 = arith.constant 0 : i32
    return %arg0, %c0_i32 : i32, i32
  }
  func.func @transform_15(%arg0: i32) -> (i32, i32) {
    %c0_i32 = arith.constant 0 : i32
    %c0_i32_0 = arith.constant 0 : i32
    return %arg0, %c0_i32 : i32, i32
  }
  func.func @transform_16(%arg0: i32) -> (i32, i32) {
    %c0_i32 = arith.constant 0 : i32
    %c0_i32_0 = arith.constant 0 : i32
    return %arg0, %c0_i32 : i32, i32
  }
  func.func @transform_17(%arg0: i32) -> (i32, i32) {
    %c0_i32 = arith.constant 0 : i32
    %c0_i32_0 = arith.constant 0 : i32
    return %arg0, %c0_i32 : i32, i32
  }
}

module attributes {stable_mosaic.version = 14 : i64} {
  func.func @_comb_body(%arg0: i32, %arg1: memref<2x2000x128xf32, #tpu.memory_space<vmem>>, %arg2: memref<2000x128xf32, #tpu.memory_space<vmem>>) attributes {dimension_semantics = [#tpu.dimension_semantics<arbitrary>], iteration_bounds = array<i64: 5>, scalar_prefetch = 0 : i64, scratch_operands = 0 : i64, tpu.core_type = #tpu.core_type<tc>, window_params = [{transform_indices = @transform_0, window_bounds = array<i64: 2, 2000, 128>}, {transform_indices = @transform_1, window_bounds = array<i64: 2000, 128>}]} {
    %get3A = arith.constant 0 : index
    %get3A_0 = arith.constant 0 : index
    %get3A_1 = arith.constant 0 : index
    %get3A_2 = vector.load %arg1[%get3A, %get3A_0, %get3A_1] : memref<2x2000x128xf32, #tpu.memory_space<vmem>>, vector<1x2000x128xf32>
    %get3A_3 = vector.shape_cast %get3A_2 : vector<1x2000x128xf32> to vector<2000x128xf32>
    %get3A_4 = arith.constant 1 : index
    %get3A_5 = arith.constant 0 : index
    %get3A_6 = arith.constant 0 : index
    %get3A_7 = vector.load %arg1[%get3A_4, %get3A_5, %get3A_6] : memref<2x2000x128xf32, #tpu.memory_space<vmem>>, vector<1x2000x128xf32>
    %get3A_8 = vector.shape_cast %get3A_7 : vector<1x2000x128xf32> to vector<2000x128xf32>
    %add3A = arith.addf %get3A_3, %get3A_8 : vector<2000x128xf32>
    %swap3A = arith.constant 0 : index
    %swap3A_9 = arith.constant 0 : index
    %swap3A_10 = vector.load %arg2[%swap3A, %swap3A_9] : memref<2000x128xf32, #tpu.memory_space<vmem>>, vector<2000x128xf32>
    tpu.vector_store %arg2[%swap3A, %swap3A_9], %add3A {strides = array<i32>} : memref<2000x128xf32, #tpu.memory_space<vmem>>, vector<2000x128xf32>,
    return
  }
  func.func @transform_0(%arg0: i32) -> (i32, i32, i32) {
    %c0_i32 = arith.constant 0 : i32
    %c0_i32_0 = arith.constant 0 : i32
    %c0_i32_1 = arith.constant 0 : i32
    return %c0_i32, %arg0, %c0_i32_0 : i32, i32, i32
  }
  func.func @transform_1(%arg0: i32) -> (i32, i32) {
    %c0_i32 = arith.constant 0 : i32
    %c0_i32_0 = arith.constant 0 : i32
    return %arg0, %c0_i32 : i32, i32
  }
}

</mosaic_0001>

<sc_bundles>
// kernel: kernel.5.cloned.1.call-start
scs
__scs_entry_jumppad:
0x0: {  	(pc) =	sbr.rel $0x88, $3  }
0x1: {  	(tag) =	ssettag $0x0;
	lr =	simm.s32 $0x1  }
0x2: {  	[smem:$0x3F93] =	sst lr;
	_ =	strace $0xD0000000  }
0x3: {  	_ = 	snop  }
0x4: {  	_ = 	snop  }
0x5: {  	_ = 	snop  }
0x6: {  	_ = 	snop  }
0x7: {  	_ = 	snop  }
__scs_overlays_trampoline_lowered:
0x8: {  	[smem:$0x3FA2] =	sst s0  }
0x9: {  	[smem:$0x3FA3] =	sst s1  }
0xa: {  	[smem:$0x3FA4] =	sst s2  }
0xb: {  	[smem:$0x3FA5] =	sst s3  }
0xc: {  	[smem:$0x3FA6] =	sst s4  }
0xd: {  	[smem:$0x3FA7] =	sst s5  }
0xe: {  	[smem:$0x3FA8] =	sst s6  }
0xf: {  	[smem:$0x3FA9] =	sst s7  }
0x10: {  	[smem:$0x3FAA] =	sst s8  }
0x11: {  	[smem:$0x3FAB] =	sst s9;
	s0 =	simm.s32 @!p0 $0x0  }
0x12: {  	s1 =	sld [smem:$0x3F91];
	s0 =	simm.s32 @p0 $0x1  }
0x13: {  	[smem:$0x3FAC] =	sst s0;
	s0 =	simm.s32 @!p1 $0x0  }
0x14: {  	s2 =	sld [smem:$0x3F90];
	s0 =	simm.s32 @p1 $0x1  }
0x15: {  	[smem:$0x3FAD] =	sst s0;
	s0 =	simm.s32 @!p2 $0x0  }
0x16: {  	s3 =	sld [smem:$0x3FDB];
	s0 =	simm.s32 @p2 $0x1  }
0x17: {  	s4 =	simm.s32 $0x1BF5;
	[smem:$0x3FAF] =	sst s0  }
0x18: {  	s0 =	sld [smem:$0x3F92];
	_ =	swait.ge [sflag:s4], $0x0  }
0x19: {  	s7 =	sld [smem:$0x3F93]  }
0x1a: {  	s8 =	sadd.s32 $0xFFFFE003, lr  }
0x1b: {  	s9 =	sadd.s32 $0xFFFFFEF7, lr;
	s5 =	simm.s32 $0xFFFFFFFF;
	p2 =	slt.u32 s8, $0xFFFFF086  }
0x1c: {  	p1 =	slt.u32 s9, $0xF7A;
	s5 =	simm.s32 @!p2 $0x0  }
0x1d: {  	s5 =	simm.s32 @p1 $0x1;
	p0 =	seq.s32 s7, s2  }
0x1e: {  	s7 =	smul.u32 @!p0 $0xF7A, s2;
	p2 =	seq.s32 @!p0 s5, $0x0  }
0x1f: {  	s9 =	smul.u32 $0xF7A, s1;
	s8 =	simm.s32 @!p0 $0x1BF5;
	p2 =	por !p2, p0  }
0x20: {  	[sflag:s8] =	ssyncset.s32 @!p0 $0xFFFFF086;
	s6 =	sadd.s32 @!p0 s3, s7;
	s7 =	simm.s32 @!p0 $0x108  }
0x21: {  	s3 =	sadd.s32 s3, s9;
	s6 =	sadd.s32 @!p0 $0x88, s6;
	s7 =	simm.s32 @p2 $0x1082  }
0x22: {  	[simem:s7], [sflag:s8] =	dma.local @!p0 [hbm:s6], $0xF7A  }
0x23: {  	s9 =	sor.u32 $0xD0000000, s2;
	s6 =	simm.s32 $0x108;
	_ =	swait.ge @!p0 [sflag:s8], $0x0  }
0x24: {  	s3 =	sadd.s32 $0x88, s3;
	s6 =	simm.s32 @!p1 $0x1082;
	[sflag:s4] =	ssyncset.s32 $0xFFFFF086  }
0x25: {  	[simem:s6], [sflag:s4] =	dma.local [hbm:s3], $0xF7A  }
0x26: {  	[smem:$0x3F93] =	sst s1;
	(tag) =	ssettag s2;
	_ =	strace s9  }
0x27: {  	s1 =	sld [smem:$0x3FA3]  }
0x28: {  	s2 =	sld [smem:$0x3FA4]  }
0x29: {  	s4 =	sld [smem:$0x3FA6]  }
0x2a: {  	p0 =	seq.s32 s5, $0x0;
	s5 =	sld [smem:$0x3FA7]  }
0x2b: {  	s6 =	sld [smem:$0x3FA8]  }
0x2c: {  	s7 =	sld [smem:$0x3FA9]  }
0x2d: {  	s3 =	simm.s32 $0x108;
	s8 =	sld [smem:$0x3FAA]  }
0x2e: {  	s3 =	simm.s32 @!p0 $0x1082;
	s9 =	sld [smem:$0x3FAB]  }
0x2f: {  	lr =	sadd.s32 s0, s3;
	s0 =	sld [smem:$0x3FA2]  }
0x30: {  	s3 =	sld [smem:$0x3FA5]  }
0x31: {  	[smem:$0x3FAE] =	sst s10  }
0x32: {  	s10 =	sld [smem:$0x3FAC];
	_ =	sdelay $0x3  }
0x33: {  	p0 =	seq.s32 s10, $0x1;
	s10 =	sld [smem:$0x3FAE];
	_ =	sdelay $0x3  }
0x34: {  	[smem:$0x3FAE] =	sst s10  }
0x35: {  	s10 =	sld [smem:$0x3FAD];
	_ =	sdelay $0x3  }
0x36: {  	p1 =	seq.s32 s10, $0x1;
	s10 =	sld [smem:$0x3FAE];
	_ =	sdelay $0x3  }
0x37: {  	[smem:$0x3FAE] =	sst s10  }
0x38: {  	s10 =	sld [smem:$0x3FAF]  }
0x39: {  	_ = 	snop;
	(pc) =	sbr.ind lr, $3  }
0x3a: {  	_ = 	snop  }
0x3b: {  	_ = 	snop  }
0x3c: {  	p2 =	seq.s32 s10, $0x1;
	s10 =	sld [smem:$0x3FAE]  }
0x3d: {  	_ =	shalt  }
0x3e: {  	_ =	shalt  }
0x3f: {  	_ =	shalt  }
0x40: {  	_ =	shalt  }
0x41: {  	_ =	shalt  }
0x42: {  	_ =	shalt  }
0x43: {  	_ =	shalt  }
0x44: {  	_ =	shalt  }
0x45: {  	_ =	shalt  }
0x46: {  	_ =	shalt  }
0x47: {  	_ =	shalt  }
0x48: {  	_ =	shalt  }
0x49: {  	_ =	shalt  }
0x4a: {  	_ =	shalt  }
0x4b: {  	_ =	shalt  }
0x4c: {  	_ =	shalt  }
0x4d: {  	_ =	shalt  }
0x4e: {  	_ =	shalt  }
0x4f: {  	_ =	shalt  }
0x50: {  	_ =	shalt  }
0x51: {  	_ =	shalt  }
0x52: {  	_ =	shalt  }
0x53: {  	_ =	shalt  }
0x54: {  	_ =	shalt  }
0x55: {  	_ =	shalt  }
0x56: {  	_ =	shalt  }
0x57: {  	_ =	shalt  }
0x58: {  	_ =	shalt  }
0x59: {  	_ =	shalt  }
0x5a: {  	_ =	shalt  }
0x5b: {  	_ =	shalt  }
0x5c: {  	_ =	shalt  }
0x5d: {  	_ =	shalt  }
0x5e: {  	_ =	shalt  }
0x5f: {  	_ =	shalt  }
0x60: {  	_ =	shalt  }
0x61: {  	_ =	shalt  }
0x62: {  	_ =	shalt  }
0x63: {  	_ =	shalt  }
0x64: {  	_ =	shalt  }
0x65: {  	_ =	shalt  }
0x66: {  	_ =	shalt  }
0x67: {  	_ =	shalt  }
0x68: {  	_ =	shalt  }
0x69: {  	_ =	shalt  }
0x6a: {  	_ =	shalt  }
0x6b: {  	_ =	shalt  }
0x6c: {  	_ =	shalt  }
0x6d: {  	_ =	shalt  }
0x6e: {  	_ =	shalt  }
0x6f: {  	_ =	shalt  }
0x70: {  	_ =	shalt  }
0x71: {  	_ =	shalt  }
0x72: {  	_ =	shalt  }
0x73: {  	_ =	shalt  }
0x74: {  	_ =	shalt  }
0x75: {  	_ =	shalt  }
0x76: {  	_ =	shalt  }
0x77: {  	_ =	shalt  }
0x78: {  	_ =	shalt  }
0x79: {  	_ =	shalt  }
0x7a: {  	_ =	shalt  }
0x7b: {  	_ =	shalt  }
0x7c: {  	_ =	shalt  }
0x7d: {  	_ =	shalt  }
0x7e: {  	_ =	shalt  }
0x7f: {  	_ =	shalt  }
0x80: {  	_ =	shalt  }
0x81: {  	_ =	shalt  }
0x82: {  	_ =	shalt  }
0x83: {  	_ =	shalt  }
0x84: {  	_ =	shalt  }
0x85: {  	_ =	shalt  }
0x86: {  	_ =	shalt  }
0x87: {  	_ =	shalt  }
.Lfunc_end0:
.L_simem_size_0:
called_computation_lowered:
.L_overlay_start_0:
0x88: {  	s2 =	sld [smem:$0x3FD9]  }
0x89: {  	s3 =	sld [smem:$0x3FFE];
	_ =	sdelay $0x1  }
0x8a: {  	s1 =	srdreg.scid  }
0x8b: {  	s0 =	sand.u32 $0x1, s1  }
0x8c: {  	s14 =	sshll.u32 s0, $0xA;
	s2 =	sadd.s32 s3, s2  }
0x8d: {  	s2 =	sadd.s32 s2, s14  }
0x8e: {  	[smem:$0x3FBA] =	sst s2  }
0x8f: {  	_ = 	snop  }
0x90: {  	s2 =	sld [smem:$0x3FD0];
	_ =	sdelay $0x2  }
0x91: {  	s15 =	simm.s32 $0xA;
	s4 =	simm.s32 $0x10  }
0x92: {  	[smem:s4], [sflag:s15] =	dma.local [hbm:s2], $0x1  }
0x93: {  	_ =	swait.eq [sflag:s15], $0x1  }
0x94: {  	[sflag:s15] =	ssyncset.done $0x0  }
0x95: {  	[sflag:s15] =	ssyncadd.s32 $0xFFFFFFFF  }
0x96: {  	s16 =	sld [smem:$0x10];
	(tm) =	ssettm $0x1  }
0x97: {  	s17 =	sld [smem:$0x3FFB];
	_ =	sdelay $0x3  }
0x98: {  	_ =	strace s17  }
0x99: {  	s3 =	sld [smem:$0x3FFC];
	_ =	sdelay $0x3  }
0x9a: {  	_ =	strace s3  }
0x9b: {  	s3 =	sld [smem:$0x3FFD];
	_ =	sdelay $0x3  }
0x9c: {  	_ =	strace s3  }
0x9d: {  	_ =	strace $0x8FFFFFFF  }
0x9e: {  	s18 =	sld [smem:$0x3FDB];
	_ =	sdelay $0x1  }
0x9f: {  	s19 =	simm.s32 $_scs_section_size  }
0xa0: {  	s5 =	simm.s32 $_size__tile_overlayer_lowered;
	s6 =	simm.s32 $_tile_overlayer_lowered  }
0xa1: {  	s22 =	simm.s32 $0x1BFF;
	s21 =	sshll.u32 s6, $0x1;
	s3 =	sadd.s32 s19, s18  }
0xa2: {  	s7 =	simm.s32 $0x0;
	s20 =	sshll.u32 s5, $0x1;
	s5 =	sadd.s32 s21, s3  }
0xa3: {  	[timem:s7], [sflag:s22] =	dma.local [hbm:s5], s20  }
0xa4: {  	_ =	swait.ge [sflag:s22], s20  }
0xa5: {  	s4 =	ssub.s32 $0x0, s20;
	[sflag:s22] =	ssyncset.done $0x0  }
0xa6: {  	[sflag:s22] =	ssyncadd.s32 s4;
	_ =	sdelay $0x1  }
0xa7: {  	s23 =	simm.s32 $0x1B8B  }
0xa8: {  	_ =	swait.ge [sflag:s23], $0x1  }
0xa9: {  	[sflag:s23] =	ssyncset.done $0x0  }
0xaa: {  	s25 =	simm.s32 $0x1B8E;
	s24 =	sld [smem:$0x3FFE];
	[sflag:s23] =	ssyncadd.s32 $0xFFFFFFFF  }
0xab: {  	s26 =	simm.s32 $execute0_lowered;
	[smem:$0x3FD2] =	sst s25  }
0xac: {  	s5 =	sshll.u32 s26, $0x1;
	_ =	strace $0x80000046;
	[dreg:$0x1] =	wrdreg $0xFFFFFFFF  }
0xad: {  	s28 =	simm.s32 $_size_execute0_lowered;
	s3 =	sadd.s32 s3, s5;
	[dreg:$0x0] =	wrdreg $0x0  }
0xae: {  	s5 =	sshll.u32 s28, $0x1;
	[dreg:$0x2] =	wrdreg s3  }
0xaf: {  	[dreg:$0x3] =	wrdreg s5  }
0xb0: {  	[dreg:$0x4] =	wrdreg $0xC0  }
0xb1: {  	_ =	task [dreg:s7], $0x5FFFF  }
0xb2: {  	[dreg:$0x1] =	wrdreg $0xFFFFFFFF  }
0xb3: {  	[dreg:$0x0] =	wrdreg $0x60  }
0xb4: {  	[dreg:$0x2] =	wrdreg s24  }
0xb5: {  	[dreg:$0x3] =	wrdreg s16  }
0xb6: {  	[dreg:$0x4] =	wrdreg $0xA8000  }
0xb7: {  	[dreg:$0x5] =	wrdreg $0x9  }
0xb8: {  	_ =	task.clear_ibuf [dreg:s7], $0x6FFFF;
	_ =	strace $0x90000046  }
0xb9: {  	s29 =	simm.s32 $0x9;
	_ =	strace $0x80000048  }
0xba: {  	_ =	swait.ge [sflag:s29], $0x1  }
0xbb: {  	[sflag:s29] =	ssyncadd.s32 $0xFFFFFFFF  }
0xbc: {  	_ =	strace $0x90000048  }
0xbd: {  	_ =	sfence  }
0xbe: {  	s30 =	sld [smem:$0x0];
	_ =	sdelay $0x2  }
0xbf: {  	s31 =	sshll.u32 s1, $0xD;
	s1 =	sshrl.u32 s1, $0x2  }
0xc0: {  	s3 =	sand.u32 $0x4000, s31;
	s1 =	sadd.s32 s1, s30  }
0xc1: {  	s0 =	sor.u32 s3, s0;
	s1 =	sshll.u32 s1, $0x11  }
0xc2: {  	s0 =	sor.u32 s1, s0  }
0xc3: {  	s0 =	sadd.s32 $0x8F2B, s0  }
0xc4: {  	[sflag:s0] =	ssyncadd.remote.s32 $0x1  }
0xc5: {  	_ =	sfence.sel $0xFFFF  }
0xc6: {  	[dreg:$0x0] =	wrdreg $0xFFFFFFFF;
	(pc) =	sbr.abs _section_cstart, $3  }
0xc7: {  	[dreg:$0x1] =	wrdreg $0xFFFFFFFF  }
0xc8: {  	_ =	task.clear_ibuf [dreg:s7], $0x2FFFF;
	_ =	strace $0x9FFFFFFF  }
0xc9: {  	(tm) =	ssettm $0x7FFFFFFF  }
tec
execute0_lowered:
.L_overlay_start_1:
0x0: {  	(tag) =	ssettag $0x1  }
0x1: {  	s5 =	rddreg [dreg:$0x0]  }
0x2: {  	s12 =	rddreg [dreg:$0x1]  }
0x3: {  	s0 =	srdreg.scid;
	s2 =	rddreg [dreg:$0x2]  }
0x4: {  	s1 =	stileid.u32;
	s3 =	simm.s32 $0x0;
	s17 =	simm.s32 $0x2  }
0x5: {  	s18 =	simm.s32 $0x80;
	s19 =	simm.s32 $0x1;
	s7 =	smul.u32 $0x14000, s1  }
0x6: {  	s6 =	sand.u32 $0x1, s0;
	s0 =	rddreg [dreg:$0x3];
	s8 =	smul.u32 $0x50000, s1  }
0x7: {  	s20 =	simm.s32 $0x0;
	[smem:$0x7FF] =	sst s3;
	s10 =	smul.u32 $0x500, s1  }
0x8: {  	s13 =	sadd.s32 $0x50200, s5;
	s4 =	smul.u32 $0x140000, s6;
	s30 =	ssub.s32 $0x2, s6  }
0x9: {  	_ =	strace $0x80000047;
	p0 =	seq.s32 s6, $0x0;
	s31 =	sshrl.u32 s30, $0x1  }
0xa: {  	s8 =	sshrl.u32 s8, $0x2;
	s16 =	sadd.s32 $0x5000, s10;
	s7 =	sadd.s32 s7, s4  }
0xb: {  	s4 =	sadd.s32 $0x2000, s5;
	s15 =	ssub.s32 s30, s31;
	s16 =	smov.u32 @p0 s10  }
0xc: {  	s7 =	sshrl.u32 s7, $0x3;
	s10 =	sadd.s32 s12, s16;
	s11 =	sadd.s32 s13, s16  }
0xd: {  	s16 =	sadd.s32 $0x280, s16;
	s15 =	smax.u32 s15, $0x1;
	s14 =	sadd.s32 s7, s5  }
0xe: {  	s5 =	sadd.s32 s8, s2;
	s12 =	sadd.s32 s12, s16;
	s13 =	sadd.s32 s13, s16  }
0xf: {  	s16 =	simm.s32 $0x2800;
	s6 =	sadd.s32 $0x4000, s5;
	s7 =	sadd.s32 $0x8000, s5  }
0x10: {  	v0 =	vimm.f32 $0.0e+00;
	s8 =	sadd.s32 $0xC000, s5;
	s9 =	sadd.s32 $0x10000, s5;
	s14 =	sadd.s32 $0x5A800, s14  }
.LBB2_1:
0x11: {  	s21 =	simm.s32 $0x0;
	s22 =	simm.s32 $0x200  }
.LBB2_2:
0x12: {  	p0 =	sne.s32 s22, $0x1FE00;
	[tilespmem:s21+$0x2870] =	vst v0  }
0x13: {  	[tilespmem:s21+$0x2800] =	vst v0  }
0x14: {  	[tilespmem:s21+$0x2810] =	vst v0  }
.Ltmp0:
0x15: {  	[tilespmem:s21+$0x2820] =	vst v0;
	(pc) =	sbr.rel @p0 .LBB2_2-.Ltmp0, $4  }
0x16: {  	[tilespmem:s21+$0x2830] =	vst v0  }
0x17: {  	[tilespmem:s21+$0x2840] =	vst v0  }
0x18: {  	[tilespmem:s21+$0x2850] =	vst v0  }
0x19: {  	[tilespmem:s21+$0x2860] =	vst v0;
	s21 =	sshra.s32 s22, $0x2;
	s22 =	sadd.s32 $0x200, s22  }
0x1a: {  	[tilespmem:s21+$0x2870] =	vst v0  }
0x1b: {  	[tilespmem:s21+$0x2800] =	vst v0  }
0x1c: {  	[tilespmem:s21+$0x2810] =	vst v0  }
0x1d: {  	[tilespmem:s21+$0x2820] =	vst v0  }
0x1e: {  	[tilespmem:s21+$0x2830] =	vst v0  }
0x1f: {  	[tilespmem:s21+$0x2840] =	vst v0  }
0x20: {  	[tilespmem:s21+$0x2850] =	vst v0  }
0x21: {  	[tilespmem:s21+$0x2860] =	vst v0  }
0x22: {  	[spmem:s5] =	stream.linear.scatter [tilespmem:s16], [sflag:$0x2], $0x4000, $0x38;
	[tilespmem:$0x1E800] =	vst v63  }
0x23: {  	_ =	swait.ge [sflag:s17], $0x4000  }
0x24: {  	[sflag:s17] =	ssyncset.done $0x0  }
0x25: {  	[sflag:s17] =	ssyncadd.s32 $0xFFFFC000  }
0x26: {  	[spmem:s6] =	stream.linear.scatter [tilespmem:s16], [sflag:$0x2], $0x4000, $0x38;
	[tilespmem:$0x1E800] =	vst v63  }
0x27: {  	_ =	swait.ge [sflag:s17], $0x4000  }
0x28: {  	[sflag:s17] =	ssyncset.done $0x0  }
0x29: {  	[sflag:s17] =	ssyncadd.s32 $0xFFFFC000  }
0x2a: {  	[spmem:s7] =	stream.linear.scatter [tilespmem:s16], [sflag:$0x2], $0x4000, $0x38;
	[tilespmem:$0x1E800] =	vst v63  }
0x2b: {  	_ =	swait.ge [sflag:s17], $0x4000  }
0x2c: {  	[sflag:s17] =	ssyncset.done $0x0  }
0x2d: {  	[sflag:s17] =	ssyncadd.s32 $0xFFFFC000  }
0x2e: {  	[spmem:s8] =	stream.linear.scatter [tilespmem:s16], [sflag:$0x2], $0x4000, $0x38;
	[tilespmem:$0x1E800] =	vst v63  }
0x2f: {  	_ =	swait.ge [sflag:s17], $0x4000  }
0x30: {  	[sflag:s17] =	ssyncset.done $0x0  }
0x31: {  	[sflag:s17] =	ssyncadd.s32 $0xFFFFC000  }
0x32: {  	[spmem:s9] =	stream.linear.scatter [tilespmem:s16], [sflag:$0x2], $0x4000, $0x38;
	[tilespmem:$0x1E800] =	vst v63  }
0x33: {  	_ =	swait.ge [sflag:s17], $0x4000  }
0x34: {  	[sflag:s17] =	ssyncset.done $0x0  }
0x35: {  	[sflag:s17] =	ssyncadd.s32 $0xFFFFC000  }
0x36: {  	[bflag:$0x0] =	sbarrier.arrive $0xFFFF  }
0x37: {  	[tilespmem:s3], [sflag:$0x2] =	stream.linear.gather [hbm4b:s10+s3], $0x1400, $0x38;
	[tilespmem:$0x1E800] =	vst v63  }
0x38: {  	_ =	swait.ge [sflag:s17], $0x1400  }
0x39: {  	[sflag:s17] =	ssyncset.done $0x0  }
0x3a: {  	s30 =	simm.s32 $0x1400;
	[sflag:s17] =	ssyncadd.s32 $0xFFFFEC00  }
0x3b: {  	[tilespmem:s30], [sflag:$0x2] =	stream.linear.gather [hbm4b:s11+s3], $0x1400, $0x38;
	[tilespmem:$0x1E800] =	vst v63  }
0x3c: {  	_ =	swait.ge [sflag:s17], $0x1400  }
0x3d: {  	s23 =	simm.s32 $0x4000;
	[sflag:s17] =	ssyncset.done $0x0  }
0x3e: {  	s22 =	simm.s32 $0x80;
	s23 =	sand.u32 $0x4000, s23;
	[sflag:s17] =	ssyncadd.s32 $0xFFFFEC00  }
0x3f: {  	[tilespmem:s16], [sflag:$0x1] =	stream.indirect.gather [hbm4b:s4+s22], $0x80, s3, s22, $0xb8;
	[tilespmem:$0x1E800] =	vst v63  }
0x40: {  	s23 =	sor.u32 $0x2800, s23  }
0x41: {  	[tilespmem:s23], [sflag:$0x1] =	stream.indirect.gather [hbm4b:s4+s18], $0x80, s22, s18, $0xb8;
	[tilespmem:$0x1E800] =	vst v63  }
0x42: {  	s31 =	simm.s32 $0x0;
	_ =	swait.ge [sflag:s19], $0x4000  }
0x43: {  	s22 =	sand.u32 $0x4000, s31;
	[sflag:s19] =	ssyncset.done $0x0  }
0x44: {  	s24 =	simm.s32 $0xC000;
	s22 =	sor.u32 $0x2800, s22;
	[sflag:s19] =	ssyncadd.s32 $0xFFFFC000  }
0x45: {  	[spmem:s2] =	stream.indirect.scatter.add.f32 [tilespmem:s22], [sflag:$0x2], $0x80, s30, s18, $0xb8;
	[tilespmem:$0x1E800] =	vst v63  }
0x46: {  	s21 =	simm.s32 $0x1480;
	s23 =	simm.s32 $0x8000;
	_ =	swait.ge [sflag:s17], $0x4000  }
0x47: {  	s25 =	sand.u32 $0x4000, s23;
	s22 =	simm.s32 $0x100;
	[sflag:s17] =	ssyncset.done $0x0  }
.LBB2_4:
0x48: {  	s25 =	sor.u32 $0x2800, s25  }
0x49: {  	[sflag:s17] =	ssyncadd.s32 $0xFFFFC000;
	s26 =	smov.u32 s24;
	s28 =	sadd.s32 $0x4000, s24  }
0x4a: {  	[tilespmem:s25], [sflag:$0x1] =	stream.indirect.gather [hbm4b:s4+s18], $0x80, s22, s18, $0xb8;
	[tilespmem:$0x1E800] =	vst v63  }
0x4b: {  	p0 =	sne.s32 s24, $0x9C000;
	s23 =	sadd.s32 $0xFFFFC000, s23;
	_ =	swait.ge [sflag:s19], $0x4000  }
.Ltmp1:
0x4c: {  	s23 =	sand.u32 $0x4000, s23;
	[sflag:s19] =	ssyncset.done $0x0;
	(pc) =	sbr.rel @p0 .LBB2_4-.Ltmp1, $4  }
0x4d: {  	s24 =	sor.u32 $0x2800, s23;
	s23 =	smov.u32 s26;
	[sflag:s19] =	ssyncadd.s32 $0xFFFFC000  }
0x4e: {  	[spmem:s2] =	stream.indirect.scatter.add.f32 [tilespmem:s24], [sflag:$0x2], $0x80, s21, s18, $0xb8;
	[tilespmem:$0x1E800] =	vst v63  }
0x4f: {  	s22 =	sadd.s32 $0x80, s22;
	s25 =	sand.u32 $0x4000, s23;
	_ =	swait.ge [sflag:s17], $0x4000  }
0x50: {  	s21 =	sadd.s32 $0x80, s21;
	s24 =	smov.u32 s28;
	[sflag:s17] =	ssyncset.done $0x0  }
0x51: {  	s24 =	sor.u32 $0x2800, s25;
	[sflag:s17] =	ssyncadd.s32 $0xFFFFC000  }
0x52: {  	[tilespmem:s24], [sflag:$0x1] =	stream.indirect.gather [hbm4b:s4+s18], $0x80, s22, s18, $0xb8;
	[tilespmem:$0x1E800] =	vst v63  }
0x53: {  	s25 =	sadd.s32 $0xFFFFC000, s23;
	_ =	swait.ge [sflag:s19], $0x4000  }
0x54: {  	s22 =	sand.u32 $0x4000, s25;
	[sflag:s19] =	ssyncset.done $0x0  }
0x55: {  	s22 =	sor.u32 $0x2800, s22;
	[sflag:s19] =	ssyncadd.s32 $0xFFFFC000  }
0x56: {  	[spmem:s2] =	stream.indirect.scatter.add.f32 [tilespmem:s22], [sflag:$0x2], $0x80, s21, s18, $0xb8;
	[tilespmem:$0x1E800] =	vst v63  }
0x57: {  	_ =	swait.ge [sflag:s17], $0x4000  }
0x58: {  	[sflag:s17] =	ssyncset.done $0x0  }
0x59: {  	[sflag:s17] =	ssyncadd.s32 $0xFFFFC000  }
0x5a: {  	_ =	swait.ge [sflag:s19], $0x4000  }
0x5b: {  	[sflag:s19] =	ssyncset.done $0x0  }
0x5c: {  	s26 =	sadd.s32 $0x80, s21;
	s28 =	simm.s32 $0x80;
	[sflag:s19] =	ssyncadd.s32 $0xFFFFC000  }
0x5d: {  	[spmem:s2] =	stream.indirect.scatter.add.f32 [tilespmem:s24], [sflag:$0x2], $0x80, s26, s28, $0xb8;
	[tilespmem:$0x1E800] =	vst v63  }
0x5e: {  	_ =	swait.ge [sflag:s17], $0x4000  }
0x5f: {  	[sflag:s17] =	ssyncset.done $0x0  }
0x60: {  	[sflag:s17] =	ssyncadd.s32 $0xFFFFC000  }
0x61: {  	[tilespmem:s3], [sflag:$0x2] =	stream.linear.gather [hbm4b:s12+s3], $0x1400, $0x38;
	[tilespmem:$0x1E800] =	vst v63  }
0x62: {  	_ =	swait.ge [sflag:s17], $0x1400  }
0x63: {  	[sflag:s17] =	ssyncset.done $0x0  }
0x64: {  	s29 =	simm.s32 $0x1400;
	[sflag:s17] =	ssyncadd.s32 $0xFFFFEC00  }
0x65: {  	[tilespmem:s29], [sflag:$0x2] =	stream.linear.gather [hbm4b:s13+s3], $0x1400, $0x38;
	[tilespmem:$0x1E800] =	vst v63  }
0x66: {  	_ =	swait.ge [sflag:s17], $0x1400  }
0x67: {  	s30 =	simm.s32 $0x4000;
	[sflag:s17] =	ssyncset.done $0x0  }
0x68: {  	s23 =	sand.u32 $0x4000, s30;
	[sflag:s17] =	ssyncadd.s32 $0xFFFFEC00  }
0x69: {  	[tilespmem:s16], [sflag:$0x1] =	stream.indirect.gather [hbm4b:s4+s28], $0x80, s3, s28, $0xb8;
	[tilespmem:$0x1E800] =	vst v63  }
0x6a: {  	s23 =	sor.u32 $0x2800, s23  }
0x6b: {  	[tilespmem:s23], [sflag:$0x1] =	stream.indirect.gather [hbm4b:s4+s18], $0x80, s28, s18, $0xb8;
	[tilespmem:$0x1E800] =	vst v63  }
0x6c: {  	s31 =	simm.s32 $0x0;
	_ =	swait.ge [sflag:s19], $0x4000  }
0x6d: {  	s22 =	sand.u32 $0x4000, s31;
	[sflag:s19] =	ssyncset.done $0x0  }
0x6e: {  	s21 =	simm.s32 $0x1480;
	s22 =	sor.u32 $0x2800, s22;
	[sflag:s19] =	ssyncadd.s32 $0xFFFFC000  }
0x6f: {  	[spmem:s2] =	stream.indirect.scatter.add.f32 [tilespmem:s22], [sflag:$0x2], $0x80, s29, s18, $0xb8;
	[tilespmem:$0x1E800] =	vst v63  }
0x70: {  	s24 =	simm.s32 $0xC000;
	s23 =	simm.s32 $0x8000;
	_ =	swait.ge [sflag:s17], $0x4000  }
0x71: {  	s25 =	sand.u32 $0x4000, s23;
	s22 =	simm.s32 $0x100;
	[sflag:s17] =	ssyncset.done $0x0  }
.LBB2_6:
0x72: {  	s25 =	sor.u32 $0x2800, s25  }
0x73: {  	[sflag:s17] =	ssyncadd.s32 $0xFFFFC000;
	s26 =	smov.u32 s24;
	s28 =	sadd.s32 $0x4000, s24  }
0x74: {  	[tilespmem:s25], [sflag:$0x1] =	stream.indirect.gather [hbm4b:s4+s18], $0x80, s22, s18, $0xb8;
	[tilespmem:$0x1E800] =	vst v63  }
0x75: {  	p0 =	sne.s32 s24, $0x9C000;
	s23 =	sadd.s32 $0xFFFFC000, s23;
	_ =	swait.ge [sflag:s19], $0x4000  }
.Ltmp2:
0x76: {  	s23 =	sand.u32 $0x4000, s23;
	[sflag:s19] =	ssyncset.done $0x0;
	(pc) =	sbr.rel @p0 .LBB2_6-.Ltmp2, $4  }
0x77: {  	s24 =	sor.u32 $0x2800, s23;
	s23 =	smov.u32 s26;
	[sflag:s19] =	ssyncadd.s32 $0xFFFFC000  }
0x78: {  	[spmem:s2] =	stream.indirect.scatter.add.f32 [tilespmem:s24], [sflag:$0x2], $0x80, s21, s18, $0xb8;
	[tilespmem:$0x1E800] =	vst v63  }
0x79: {  	s22 =	sadd.s32 $0x80, s22;
	s25 =	sand.u32 $0x4000, s23;
	_ =	swait.ge [sflag:s17], $0x4000  }
0x7a: {  	s21 =	sadd.s32 $0x80, s21;
	s24 =	smov.u32 s28;
	[sflag:s17] =	ssyncset.done $0x0  }
0x7b: {  	s24 =	sor.u32 $0x2800, s25;
	[sflag:s17] =	ssyncadd.s32 $0xFFFFC000  }
0x7c: {  	[tilespmem:s24], [sflag:$0x1] =	stream.indirect.gather [hbm4b:s4+s18], $0x80, s22, s18, $0xb8;
	[tilespmem:$0x1E800] =	vst v63  }
0x7d: {  	s28 =	sadd.s32 $0xFFFFC000, s23;
	_ =	swait.ge [sflag:s19], $0x4000  }
0x7e: {  	s22 =	sand.u32 $0x4000, s28;
	[sflag:s19] =	ssyncset.done $0x0  }
0x7f: {  	s22 =	sor.u32 $0x2800, s22;
	[sflag:s19] =	ssyncadd.s32 $0xFFFFC000  }
0x80: {  	[spmem:s2] =	stream.indirect.scatter.add.f32 [tilespmem:s22], [sflag:$0x2], $0x80, s21, s18, $0xb8;
	[tilespmem:$0x1E800] =	vst v63  }
0x81: {  	_ =	swait.ge [sflag:s17], $0x4000  }
0x82: {  	[sflag:s17] =	ssyncset.done $0x0  }
0x83: {  	[sflag:s17] =	ssyncadd.s32 $0xFFFFC000  }
0x84: {  	_ =	swait.ge [sflag:s19], $0x4000  }
0x85: {  	[sflag:s19] =	ssyncset.done $0x0  }
0x86: {  	s29 =	sadd.s32 $0x80, s21;
	[sflag:s19] =	ssyncadd.s32 $0xFFFFC000  }
0x87: {  	[spmem:s2] =	stream.indirect.scatter.add.f32 [tilespmem:s24], [sflag:$0x2], $0x80, s29, s18, $0xb8;
	[tilespmem:$0x1E800] =	vst v63  }
0x88: {  	_ =	swait.ge [sflag:s17], $0x4000  }
0x89: {  	s30 =	sshll.u32 s1, $0x6;
	s20 =	sadd.s32 $0x1, s20;
	[sflag:s17] =	ssyncset.done $0x0  }
0x8a: {  	s31 =	sshrl.u32 s5, $0x3;
	p0 =	sne.s32 s20, s15;
	[sflag:s17] =	ssyncadd.s32 $0xFFFFC000  }
.Ltmp3:
0x8b: {  	s21 =	sor.u32 $0x1C02, s30;
	[bflag:$0x0] =	sbarrier.arrive $0xFFFF;
	(pc) =	sbr.rel @p0 .LBB2_1-.Ltmp3, $4  }
0x8c: {  	[hbm:s14], [sflag:s21] =	dma.local [spmem:s31], $0x2800  }
0x8d: {  	_ =	swait.ge [sflag:s17], $0x2800  }
0x8e: {  	[sflag:s17] =	ssyncset.done $0x0  }
0x8f: {  	[sflag:s17] =	ssyncadd.s32 $0xFFFFD800  }
0x90: {  	_ =	sfence.sel $0x180000  }
0x91: {  	[bflag:$0x0] =	sbarrier.arrive $0xFFFF  }
0x92: {  	p0 =	sne.s32 s1, $0x0;
	_ =	strace $0x90000047  }
0x93: {  	s0 =	sadd.s32 @!p0 $0x100000, s0;
	[bflag:$0x2] =	sbarrier.arrive $0xFFFF  }
0x94: {  	[sflag:s0] =	ssyncadd.tile.s32 @!p0 $0x1;
	_ =	shalt  }
.Lfunc_end2:
_tile_overlayer_lowered:
.L_overlay_start_2:
0x95: {  	(tag) =	ssettag $0x2  }
0x96: {  	s0 =	rddreg [dreg:$0x0];
	s2 =	stileid.u32  }
0x97: {  	s1 =	rddreg [dreg:$0x1];
	p0 =	sne.s32 s2, $0x0  }
0x98: {  	s3 =	rddreg [dreg:$0x2];
	[bflag:$0x3] =	sbarrier.arrive $0xFFFF;
	s2 =	simm.s32 @!p0 $0x1C02  }
0x99: {  	[timem:s3], [sflag:s2] =	dma.local @!p0 [hbm:s0], s1  }
0x9a: {  	s0 =	simm.s32 @!p0 $0x2  }
0x9b: {  	_ =	swait.ge @!p0 [sflag:s0], s1  }
0x9c: {  	s1 =	ssub.s32 @!p0 $0x0, s1;
	[sflag:s0] =	ssyncset.done @!p0 $0x0  }
0x9d: {  	[sflag:s0] =	ssyncadd.s32 @!p0 s1  }
0x9e: {  	[bflag:$0x3] =	sbarrier.arrive $0xFFFF  }
0x9f: {  	_ =	shalt  }

</sc_bundles>
